<compile_context>
chip_gen: v7x
topology: tpu7x:2x2x1
jax: 0.10.2.dev20260603
libtpu: 0.0.44.dev20260713+nightly
codegen_flags: <defaults>
</compile_context>

<pallas_src>
import functools

import jax
import jax.numpy as jnp
from jax import lax
from jax.experimental import pallas as pl
from jax.experimental.pallas import tpu as pltpu
from jax.experimental.pallas import tpu_sc as plsc

N_NODES = 10000
N_EDGES = 320000
D = 128
NLANE = 16
NQ = D // NLANE

NC = 2
NS = 16
NW = NC * NS
S = 320
CSR_SLICE = S + 32
CSR_PAD_LEN = (NW - 1) * S + CSR_SLICE
C = 128
SEARCH_STEPS = 9


def _extract(vec_ref, idx):
    return vec_ref[pl.ds(idx, NLANE)][0]


_mesh = plsc.VectorSubcoreMesh(core_axis_name="c", subcore_axis_name="s")


@functools.partial(
    pl.kernel,
    out_type=jax.ShapeDtypeStruct((NW * S, D), jnp.float32),
    mesh=_mesh,
    scratch_types=[
        pltpu.VMEM((CSR_SLICE,), jnp.int32),
        pltpu.VMEM((C, D), jnp.float32),
        pltpu.VMEM((S + 1, D), jnp.float32),
        pltpu.VMEM((C + NLANE,), jnp.int32),
    ],
    compiler_params=pltpu.CompilerParams(needs_layout_passes=False),
)
def _csr_pool(csr_hbm, xmod_hbm, out_hbm, csr_v, buf_v, outb_v, seg_v):
    wid = lax.axis_index("s") * NC + lax.axis_index("c")
    j0 = wid * S
    pltpu.sync_copy(csr_hbm.at[pl.ds(j0, CSR_SLICE)], csr_v)

    zero = jnp.zeros((NLANE,), jnp.float32)
    lane = lax.iota(jnp.int32, NLANE)

    def zinit(j, carry):
        for q in range(NQ):
            outb_v[j, pl.ds(q * NLANE, NLANE)] = zero
        return carry

    lax.fori_loop(0, S + 1, zinit, 0)

    e0 = _extract(csr_v, 0)
    e_end = _extract(csr_v, S)
    k0 = e0 // C
    k1 = (e_end + (C - 1)) // C
    e0v = jnp.full((NLANE,), e0, jnp.int32)
    e_endv = jnp.full((NLANE,), e_end, jnp.int32)

    def chunk_body(k, carry):
        pltpu.sync_copy(xmod_hbm.at[pl.ds(k * C, C)], buf_v)
        base = k * C

        def search_body(g, carry_):
            i16 = jnp.full((NLANE,), base + g * NLANE, jnp.int32) + lane
            lo = jnp.zeros((NLANE,), jnp.int32)
            hi = jnp.full((NLANE,), S, jnp.int32)
            for _ in range(SEARCH_STEPS):
                mid = (lo + hi + 1) >> 1
                probe = plsc.load_gather(csr_v, [mid])
                le = probe <= i16
                lo = jnp.where(le, mid, lo)
                hi = jnp.where(le, hi, mid - 1)
            valid = (i16 >= e0v) & (i16 < e_endv)
            js16 = jnp.where(valid, lo, jnp.full((NLANE,), S, jnp.int32))
            seg_v[pl.ds(g * NLANE, NLANE)] = js16
            return carry_

        lax.fori_loop(0, C // NLANE, search_body, 0)

        def row_body(r, carry_):
            js = _extract(seg_v, r)
            rowv = jnp.full((NLANE,), js, jnp.int32)
            for q in range(NQ):
                col = lane + (q * NLANE)
                v = buf_v[r, pl.ds(q * NLANE, NLANE)]
                plsc.addupdate_scatter(outb_v, [rowv, col], v)
            return carry_

        lax.fori_loop(0, C, row_body, 0)
        return carry

    lax.fori_loop(k0, k1, chunk_body, 0)

    pltpu.sync_copy(outb_v.at[pl.ds(0, S)], out_hbm.at[pl.ds(j0, S)])


def kernel(x_main, x_mod, csr_idx):
    del x_main
    csr = csr_idx.astype(jnp.int32)
    pad = jnp.full((CSR_PAD_LEN - (N_NODES + 1),), N_EDGES, jnp.int32)
    csr_pad = jnp.concatenate([csr, pad])
    out_pad = _csr_pool(csr_pad, x_mod)
    return out_pad[:N_NODES]

# --- scband reference (transcript-rebuilt; emitter-appended) ---
"""Pipeline reference for scband-bimodal-csrpool-15882789061073 (READ-ONLY COPY).

The authoritative reference and input builder live on the scoring server;
editing this copy changes nothing except your own understanding.
"""

import jax, jax.numpy as jnp
import numpy as np

N_NODES = 10000
N_EDGES = 320000
D = 128


def setup_inputs(seed: int = 0) -> dict:
    key = jax.random.key(seed)
    k1, k2, k3 = jax.random.split(key, 3)
    x_main = jax.random.normal(k1, (N_NODES, D), dtype=jnp.float32)
    x_mod = jax.random.normal(k2, (N_EDGES, D), dtype=jnp.float32)
    csr = jnp.sort(jax.random.randint(k3, (N_NODES + 1,), 0, N_EDGES))
    csr = csr.at[0].set(0).at[-1].set(N_EDGES)
    return {"x_main": x_main, "x_mod": x_mod, "csr_idx": csr}


def segment_csr_sum(x, csr):
    # Faithful translation of torch_scatter.segment_csr(x, csr, reduce='sum'):
    # out[j] = sum over x[csr[j]:csr[j+1]]
    B = csr.shape[0] - 1
    idx = jnp.arange(x.shape[0])
    seg = jnp.searchsorted(csr, idx, side='right') - 1
    valid = (seg >= 0) & (seg < B)
    seg_c = jnp.clip(seg, 0, B - 1)
    contrib = jnp.where(valid[:, None], x, jnp.zeros_like(x))
    return jax.ops.segment_sum(contrib, seg_c, num_segments=B)


def reference(x_main, x_mod, csr_idx):
    # BimodalCSRPool.forward ignores x_main and reduces x_mod over CSR segments
    return segment_csr_sum(x_mod, csr_idx)

if __name__ == "__main__":
    import jax
    _d = setup_inputs()
    print(jax.jit(kernel)(*tuple(_d.values())))

</pallas_src>

<mosaic_0001>
#map = affine_map<(d0, d1) -> (0)>
#map1 = affine_map<(d0, d1) -> (0, 0)>
module attributes {stable_mosaic.version = 14 : i64} {
  func.func @_csr_pool(%arg0: i32, %arg1: i32, %arg2: memref<10272xi32, #tpu.memory_space<hbm>>, %arg3: memref<320000x128xf32, #tpu.memory_space<hbm>>, %arg4: memref<10240x128xf32, #tpu.memory_space<hbm>>, %arg5: memref<352xi32, #tpu.memory_space<vmem>>, %arg6: memref<128x128xf32, #tpu.memory_space<vmem>>, %arg7: memref<321x128xf32, #tpu.memory_space<vmem>>, %arg8: memref<144xi32, #tpu.memory_space<vmem>>) attributes {dimension_semantics = [#tpu.dimension_semantics<core_parallel>, #tpu.dimension_semantics<subcore_parallel>], iteration_bounds = array<i64: 2, 16>, scalar_prefetch = 0 : i64, scratch_operands = 4 : i64, tpu.core_type = #tpu.core_type<sc_vector_subcore>, window_params = [{transform_indices = #map}, {transform_indices = #map1}, {transform_indices = #map1}]} {
    %mul3A = arith.constant 2 : i32
    %mul3A_0 = arith.muli %arg1, %mul3A : i32
    %add3A = arith.addi %mul3A_0, %arg0 : i32
    %mul3A_1 = arith.constant 320 : i32
    %mul3A_2 = arith.muli %add3A, %mul3A_1 : i32
    "tpu.region"() ({
      %run_scoped3A = tpu.sem_alloc : memref<!tpu.dma_semaphore, #tpu.memory_space<semaphore_mem>>
      %dma_start3A = tpu.memref_slice %arg2[%mul3A_2] : memref<10272xi32, #tpu.memory_space<hbm>> -> memref<352xi32, #tpu.memory_space<hbm>>
      %dma_start3A_66 = tpu.memref_slice %arg2[%mul3A_2] : memref<10272xi32, #tpu.memory_space<hbm>> -> memref<352xi32, #tpu.memory_space<hbm>>
      tpu.enqueue_dma source(%dma_start3A_66 : memref<352xi32, #tpu.memory_space<hbm>>) target(%arg5 : memref<352xi32, #tpu.memory_space<vmem>>) target_semaphore(%run_scoped3A : memref<!tpu.dma_semaphore, #tpu.memory_space<semaphore_mem>>)
      %dma_wait3A = tpu.memref_slice %arg2[%mul3A_2] : memref<10272xi32, #tpu.memory_space<hbm>> -> memref<352xi32, #tpu.memory_space<hbm>>
      %dma_wait3A_67 = tpu.memref_slice %arg2[%mul3A_2] : memref<10272xi32, #tpu.memory_space<hbm>> -> memref<352xi32, #tpu.memory_space<hbm>>
      tpu.wait_dma2 semaphore(%run_scoped3A : memref<!tpu.dma_semaphore, #tpu.memory_space<semaphore_mem>>) src(%dma_wait3A_67 : memref<352xi32, #tpu.memory_space<hbm>>) dst(%arg5 : memref<352xi32, #tpu.memory_space<vmem>>)
      tpu.yield
    }) : () -> ()
    %broadcast_in_dim3A = arith.constant 0.000000e+00 : f32
    %broadcast_in_dim3A_3 = vector.broadcast %broadcast_in_dim3A : f32 to vector<16xf32>
    %iota3A = tpu.iota {dimensions = array<i32: 0>} : vector<16xi32>
    %scan3A = arith.constant 0 : i32
    %scan3A_4 = arith.constant 0 : i32
    %scan3A_5 = arith.constant 321 : i32
    %scan3A_6 = arith.addi %scan3A_4, %scan3A_5 : i32
    %scan3A_7 = arith.constant 1 : i32
    scf.for %scan3A_66 = %scan3A_4 to %scan3A_6 step %scan3A_7  : i32 {
      %swap3A = arith.index_cast %scan3A_66 : i32 to index
      %swap3A_67 = arith.constant 0 : index
      %swap3A_68 = tpu.vector_load %arg7[%swap3A, %swap3A_67] {strides = array<i32>} : memref<321x128xf32, #tpu.memory_space<vmem>>, vector<16xf32>,
      tpu.vector_store %arg7[%swap3A, %swap3A_67], %broadcast_in_dim3A_3 {strides = array<i32>} : memref<321x128xf32, #tpu.memory_space<vmem>>, vector<16xf32>,
      %swap3A_69 = arith.index_cast %scan3A_66 : i32 to index
      %swap3A_70 = arith.constant 16 : index
      %swap3A_71 = tpu.vector_load %arg7[%swap3A_69, %swap3A_70] {strides = array<i32>} : memref<321x128xf32, #tpu.memory_space<vmem>>, vector<16xf32>,
      tpu.vector_store %arg7[%swap3A_69, %swap3A_70], %broadcast_in_dim3A_3 {strides = array<i32>} : memref<321x128xf32, #tpu.memory_space<vmem>>, vector<16xf32>,
      %swap3A_72 = arith.index_cast %scan3A_66 : i32 to index
      %swap3A_73 = arith.constant 32 : index
      %swap3A_74 = tpu.vector_load %arg7[%swap3A_72, %swap3A_73] {strides = array<i32>} : memref<321x128xf32, #tpu.memory_space<vmem>>, vector<16xf32>,
      tpu.vector_store %arg7[%swap3A_72, %swap3A_73], %broadcast_in_dim3A_3 {strides = array<i32>} : memref<321x128xf32, #tpu.memory_space<vmem>>, vector<16xf32>,
      %swap3A_75 = arith.index_cast %scan3A_66 : i32 to index
      %swap3A_76 = arith.constant 48 : index
      %swap3A_77 = tpu.vector_load %arg7[%swap3A_75, %swap3A_76] {strides = array<i32>} : memref<321x128xf32, #tpu.memory_space<vmem>>, vector<16xf32>,
      tpu.vector_store %arg7[%swap3A_75, %swap3A_76], %broadcast_in_dim3A_3 {strides = array<i32>} : memref<321x128xf32, #tpu.memory_space<vmem>>, vector<16xf32>,
      %swap3A_78 = arith.index_cast %scan3A_66 : i32 to index
      %swap3A_79 = arith.constant 64 : index
      %swap3A_80 = tpu.vector_load %arg7[%swap3A_78, %swap3A_79] {strides = array<i32>} : memref<321x128xf32, #tpu.memory_space<vmem>>, vector<16xf32>,
      tpu.vector_store %arg7[%swap3A_78, %swap3A_79], %broadcast_in_dim3A_3 {strides = array<i32>} : memref<321x128xf32, #tpu.memory_space<vmem>>, vector<16xf32>,
      %swap3A_81 = arith.index_cast %scan3A_66 : i32 to index
      %swap3A_82 = arith.constant 80 : index
      %swap3A_83 = tpu.vector_load %arg7[%swap3A_81, %swap3A_82] {strides = array<i32>} : memref<321x128xf32, #tpu.memory_space<vmem>>, vector<16xf32>,
      tpu.vector_store %arg7[%swap3A_81, %swap3A_82], %broadcast_in_dim3A_3 {strides = array<i32>} : memref<321x128xf32, #tpu.memory_space<vmem>>, vector<16xf32>,
      %swap3A_84 = arith.index_cast %scan3A_66 : i32 to index
      %swap3A_85 = arith.constant 96 : index
      %swap3A_86 = tpu.vector_load %arg7[%swap3A_84, %swap3A_85] {strides = array<i32>} : memref<321x128xf32, #tpu.memory_space<vmem>>, vector<16xf32>,
      tpu.vector_store %arg7[%swap3A_84, %swap3A_85], %broadcast_in_dim3A_3 {strides = array<i32>} : memref<321x128xf32, #tpu.memory_space<vmem>>, vector<16xf32>,
      %swap3A_87 = arith.index_cast %scan3A_66 : i32 to index
      %swap3A_88 = arith.constant 112 : index
      %swap3A_89 = tpu.vector_load %arg7[%swap3A_87, %swap3A_88] {strides = array<i32>} : memref<321x128xf32, #tpu.memory_space<vmem>>, vector<16xf32>,
      tpu.vector_store %arg7[%swap3A_87, %swap3A_88], %broadcast_in_dim3A_3 {strides = array<i32>} : memref<321x128xf32, #tpu.memory_space<vmem>>, vector<16xf32>,
    }
    %scan3A_8 = arith.constant 321 : i32
    %get3A = arith.constant 0 : index
    %get3A_9 = tpu.vector_load %arg5[%get3A] {strides = array<i32>} : memref<352xi32, #tpu.memory_space<vmem>>, vector<16xi32>,
    %slice3A = vector.extract_strided_slice %get3A_9 {offsets = [0], sizes = [1], strides = [1]} : vector<16xi32> to vector<1xi32>
    %squeeze3A = vector.extract %slice3A[0] : i32 from vector<1xi32>
    %get3A_10 = arith.constant 320 : index
    %get3A_11 = tpu.vector_load %arg5[%get3A_10] {strides = array<i32>} : memref<352xi32, #tpu.memory_space<vmem>>, vector<16xi32>,
    %slice3A_12 = vector.extract_strided_slice %get3A_11 {offsets = [0], sizes = [1], strides = [1]} : vector<16xi32> to vector<1xi32>
    %squeeze3A_13 = vector.extract %slice3A_12[0] : i32 from vector<1xi32>
    %jit3A = arith.constant 128 : i32
    %div3A = arith.divsi %squeeze3A, %jit3A : i32
    %sign3A = arith.constant 0 : i32
    %sign3A_14 = arith.cmpi sgt, %squeeze3A, %sign3A : i32
    %sign3A_15 = arith.extui %sign3A_14 : i1 to i32
    %sign3A_16 = arith.constant 0 : i32
    %sign3A_17 = arith.cmpi slt, %squeeze3A, %sign3A_16 : i32
    %sign3A_18 = arith.extui %sign3A_17 : i1 to i32
    %sign3A_19 = arith.subi %sign3A_15, %sign3A_18 : i32
    %sign3A_20 = arith.constant 0 : i32
    %sign3A_21 = arith.cmpi sgt, %jit3A, %sign3A_20 : i32
    %sign3A_22 = arith.extui %sign3A_21 : i1 to i32
    %sign3A_23 = arith.constant 0 : i32
    %sign3A_24 = arith.cmpi slt, %jit3A, %sign3A_23 : i32
    %sign3A_25 = arith.extui %sign3A_24 : i1 to i32
    %sign3A_26 = arith.subi %sign3A_22, %sign3A_25 : i32
    %ne3A = arith.cmpi ne, %sign3A_19, %sign3A_26 : i32
    %rem3A = arith.remsi %squeeze3A, %jit3A : i32
    %ne3A_27 = arith.constant 0 : i32
    %ne3A_28 = arith.cmpi ne, %rem3A, %ne3A_27 : i32
    %and3A = arith.andi %ne3A, %ne3A_28 : i1
    %sub3A = arith.constant 1 : i32
    %sub3A_29 = arith.subi %div3A, %sub3A : i32
    %select_n3A = arith.select %and3A, %sub3A_29, %div3A : i32
    %add3A_30 = arith.constant 127 : i32
    %add3A_31 = arith.addi %squeeze3A_13, %add3A_30 : i32
    %jit3A_32 = arith.constant 128 : i32
    %div3A_33 = arith.divsi %add3A_31, %jit3A_32 : i32
    %sign3A_34 = arith.constant 0 : i32
    %sign3A_35 = arith.cmpi sgt, %add3A_31, %sign3A_34 : i32
    %sign3A_36 = arith.extui %sign3A_35 : i1 to i32
    %sign3A_37 = arith.constant 0 : i32
    %sign3A_38 = arith.cmpi slt, %add3A_31, %sign3A_37 : i32
    %sign3A_39 = arith.extui %sign3A_38 : i1 to i32
    %sign3A_40 = arith.subi %sign3A_36, %sign3A_39 : i32
    %sign3A_41 = arith.constant 0 : i32
    %sign3A_42 = arith.cmpi sgt, %jit3A_32, %sign3A_41 : i32
    %sign3A_43 = arith.extui %sign3A_42 : i1 to i32
    %sign3A_44 = arith.constant 0 : i32
    %sign3A_45 = arith.cmpi slt, %jit3A_32, %sign3A_44 : i32
    %sign3A_46 = arith.extui %sign3A_45 : i1 to i32
    %sign3A_47 = arith.subi %sign3A_43, %sign3A_46 : i32
    %ne3A_48 = arith.cmpi ne, %sign3A_40, %sign3A_47 : i32
    %rem3A_49 = arith.remsi %add3A_31, %jit3A_32 : i32
    %ne3A_50 = arith.constant 0 : i32
    %ne3A_51 = arith.cmpi ne, %rem3A_49, %ne3A_50 : i32
    %and3A_52 = arith.andi %ne3A_48, %ne3A_51 : i1
    %sub3A_53 = arith.constant 1 : i32
    %sub3A_54 = arith.subi %div3A_33, %sub3A_53 : i32
    %select_n3A_55 = arith.select %and3A_52, %sub3A_54, %div3A_33 : i32
    %broadcast_in_dim3A_56 = vector.broadcast %squeeze3A : i32 to vector<16xi32>
    %broadcast_in_dim3A_57 = vector.broadcast %squeeze3A_13 : i32 to vector<16xi32>
    %while3A = arith.constant 0 : i32
    %while3A_58 = arith.subi %select_n3A_55, %select_n3A : i32
    %while3A_59 = arith.addi %select_n3A, %while3A_58 : i32
    %while3A_60 = arith.constant 1 : i32
    %while3A_61 = arith.divsi %while3A_58, %while3A_60 : i32
    %while3A_62 = arith.muli %while3A_61, %while3A_60 : i32
    %while3A_63 = arith.addi %select_n3A, %while3A_62 : i32
    %while3A_64 = arith.constant 1 : i32
    scf.for %while3A_66 = %select_n3A to %while3A_63 step %while3A_64  : i32 {
      %mul3A_67 = arith.constant 128 : i32
      %mul3A_68 = arith.muli %while3A_66, %mul3A_67 : i32
      "tpu.region"() ({
        %run_scoped3A = tpu.sem_alloc : memref<!tpu.dma_semaphore, #tpu.memory_space<semaphore_mem>>
        %dma_start3A = arith.constant 0 : i32
        %dma_start3A_83 = tpu.memref_slice %arg3[%mul3A_68, %dma_start3A] : memref<320000x128xf32, #tpu.memory_space<hbm>> -> memref<128x128xf32, #tpu.memory_space<hbm>>
        %dma_start3A_84 = arith.constant 0 : i32
        %dma_start3A_85 = tpu.memref_slice %arg3[%mul3A_68, %dma_start3A_84] : memref<320000x128xf32, #tpu.memory_space<hbm>> -> memref<128x128xf32, #tpu.memory_space<hbm>>
        tpu.enqueue_dma source(%dma_start3A_85 : memref<128x128xf32, #tpu.memory_space<hbm>>) target(%arg6 : memref<128x128xf32, #tpu.memory_space<vmem>>) target_semaphore(%run_scoped3A : memref<!tpu.dma_semaphore, #tpu.memory_space<semaphore_mem>>)
        %dma_wait3A = arith.constant 0 : i32
        %dma_wait3A_86 = tpu.memref_slice %arg3[%mul3A_68, %dma_wait3A] : memref<320000x128xf32, #tpu.memory_space<hbm>> -> memref<128x128xf32, #tpu.memory_space<hbm>>
        %dma_wait3A_87 = arith.constant 0 : i32
        %dma_wait3A_88 = tpu.memref_slice %arg3[%mul3A_68, %dma_wait3A_87] : memref<320000x128xf32, #tpu.memory_space<hbm>> -> memref<128x128xf32, #tpu.memory_space<hbm>>
        tpu.wait_dma2 semaphore(%run_scoped3A : memref<!tpu.dma_semaphore, #tpu.memory_space<semaphore_mem>>) src(%dma_wait3A_88 : memref<128x128xf32, #tpu.memory_space<hbm>>) dst(%arg6 : memref<128x128xf32, #tpu.memory_space<vmem>>)
        tpu.yield
      }) : () -> ()
      %mul3A_69 = arith.constant 128 : i32
      %mul3A_70 = arith.muli %while3A_66, %mul3A_69 : i32
      %scan3A_71 = arith.constant 0 : i32
      %scan3A_72 = arith.constant 0 : i32
      %scan3A_73 = arith.constant 8 : i32
      %scan3A_74 = arith.addi %scan3A_72, %scan3A_73 : i32
      %scan3A_75 = arith.constant 1 : i32
      scf.for %scan3A_83 = %scan3A_72 to %scan3A_74 step %scan3A_75  : i32 {
        %mul3A_84 = arith.constant 16 : i32
        %mul3A_85 = arith.muli %scan3A_83, %mul3A_84 : i32
        %add3A_86 = arith.addi %mul3A_70, %mul3A_85 : i32
        %broadcast_in_dim3A_87 = vector.broadcast %add3A_86 : i32 to vector<16xi32>
        %add3A_88 = arith.addi %broadcast_in_dim3A_87, %iota3A : vector<16xi32>
        %broadcast_in_dim3A_89 = arith.constant 0 : i32
        %broadcast_in_dim3A_90 = vector.broadcast %broadcast_in_dim3A_89 : i32 to vector<16xi32>
        %broadcast_in_dim3A_91 = arith.constant 320 : i32
        %broadcast_in_dim3A_92 = vector.broadcast %broadcast_in_dim3A_91 : i32 to vector<16xi32>
        %add3A_93 = arith.addi %broadcast_in_dim3A_90, %broadcast_in_dim3A_92 : vector<16xi32>
        %add3A_94 = arith.constant 1 : i32
        %add3A_95 = vector.broadcast %add3A_94 : i32 to vector<16xi32>
        %add3A_96 = arith.addi %add3A_93, %add3A_95 : vector<16xi32>
        %shift_right_arithmetic3A = arith.constant 1 : i32
        %shift_right_arithmetic3A_97 = vector.broadcast %shift_right_arithmetic3A : i32 to vector<16xi32>
        %shift_right_arithmetic3A_98 = arith.shrsi %add3A_96, %shift_right_arithmetic3A_97 : vector<16xi32>
        %gather3A = tpu.vector_load_idx %arg5[%shift_right_arithmetic3A_98] : memref<352xi32, #tpu.memory_space<vmem>>[vector<16xi32>], vector<16xi32>,
        %le3A = arith.cmpi sle, %gather3A, %add3A_88 : vector<16xi32>
        %select_n3A_99 = arith.select %le3A, %shift_right_arithmetic3A_98, %broadcast_in_dim3A_90 : vector<16xi1>, vector<16xi32>
        %sub3A_100 = arith.constant 1 : i32
        %sub3A_101 = vector.broadcast %sub3A_100 : i32 to vector<16xi32>
        %sub3A_102 = arith.subi %shift_right_arithmetic3A_98, %sub3A_101 : vector<16xi32>
        %select_n3A_103 = arith.select %le3A, %broadcast_in_dim3A_92, %sub3A_102 : vector<16xi1>, vector<16xi32>
        %add3A_104 = arith.addi %select_n3A_99, %select_n3A_103 : vector<16xi32>
        %add3A_105 = arith.constant 1 : i32
        %add3A_106 = vector.broadcast %add3A_105 : i32 to vector<16xi32>
        %add3A_107 = arith.addi %add3A_104, %add3A_106 : vector<16xi32>
        %shift_right_arithmetic3A_108 = arith.constant 1 : i32
        %shift_right_arithmetic3A_109 = vector.broadcast %shift_right_arithmetic3A_108 : i32 to vector<16xi32>
        %shift_right_arithmetic3A_110 = arith.shrsi %add3A_107, %shift_right_arithmetic3A_109 : vector<16xi32>
        %gather3A_111 = tpu.vector_load_idx %arg5[%shift_right_arithmetic3A_110] : memref<352xi32, #tpu.memory_space<vmem>>[vector<16xi32>], vector<16xi32>,
        %le3A_112 = arith.cmpi sle, %gather3A_111, %add3A_88 : vector<16xi32>
        %select_n3A_113 = arith.select %le3A_112, %shift_right_arithmetic3A_110, %select_n3A_99 : vector<16xi1>, vector<16xi32>
        %sub3A_114 = arith.constant 1 : i32
        %sub3A_115 = vector.broadcast %sub3A_114 : i32 to vector<16xi32>
        %sub3A_116 = arith.subi %shift_right_arithmetic3A_110, %sub3A_115 : vector<16xi32>
        %select_n3A_117 = arith.select %le3A_112, %select_n3A_103, %sub3A_116 : vector<16xi1>, vector<16xi32>
        %add3A_118 = arith.addi %select_n3A_113, %select_n3A_117 : vector<16xi32>
        %add3A_119 = arith.constant 1 : i32
        %add3A_120 = vector.broadcast %add3A_119 : i32 to vector<16xi32>
        %add3A_121 = arith.addi %add3A_118, %add3A_120 : vector<16xi32>
        %shift_right_arithmetic3A_122 = arith.constant 1 : i32
        %shift_right_arithmetic3A_123 = vector.broadcast %shift_right_arithmetic3A_122 : i32 to vector<16xi32>
        %shift_right_arithmetic3A_124 = arith.shrsi %add3A_121, %shift_right_arithmetic3A_123 : vector<16xi32>
        %gather3A_125 = tpu.vector_load_idx %arg5[%shift_right_arithmetic3A_124] : memref<352xi32, #tpu.memory_space<vmem>>[vector<16xi32>], vector<16xi32>,
        %le3A_126 = arith.cmpi sle, %gather3A_125, %add3A_88 : vector<16xi32>
        %select_n3A_127 = arith.select %le3A_126, %shift_right_arithmetic3A_124, %select_n3A_113 : vector<16xi1>, vector<16xi32>
        %sub3A_128 = arith.constant 1 : i32
        %sub3A_129 = vector.broadcast %sub3A_128 : i32 to vector<16xi32>
        %sub3A_130 = arith.subi %shift_right_arithmetic3A_124, %sub3A_129 : vector<16xi32>
        %select_n3A_131 = arith.select %le3A_126, %select_n3A_117, %sub3A_130 : vector<16xi1>, vector<16xi32>
        %add3A_132 = arith.addi %select_n3A_127, %select_n3A_131 : vector<16xi32>
        %add3A_133 = arith.constant 1 : i32
        %add3A_134 = vector.broadcast %add3A_133 : i32 to vector<16xi32>
        %add3A_135 = arith.addi %add3A_132, %add3A_134 : vector<16xi32>
        %shift_right_arithmetic3A_136 = arith.constant 1 : i32
        %shift_right_arithmetic3A_137 = vector.broadcast %shift_right_arithmetic3A_136 : i32 to vector<16xi32>
        %shift_right_arithmetic3A_138 = arith.shrsi %add3A_135, %shift_right_arithmetic3A_137 : vector<16xi32>
        %gather3A_139 = tpu.vector_load_idx %arg5[%shift_right_arithmetic3A_138] : memref<352xi32, #tpu.memory_space<vmem>>[vector<16xi32>], vector<16xi32>,
        %le3A_140 = arith.cmpi sle, %gather3A_139, %add3A_88 : vector<16xi32>
        %select_n3A_141 = arith.select %le3A_140, %shift_right_arithmetic3A_138, %select_n3A_127 : vector<16xi1>, vector<16xi32>
        %sub3A_142 = arith.constant 1 : i32
        %sub3A_143 = vector.broadcast %sub3A_142 : i32 to vector<16xi32>
        %sub3A_144 = arith.subi %shift_right_arithmetic3A_138, %sub3A_143 : vector<16xi32>
        %select_n3A_145 = arith.select %le3A_140, %select_n3A_131, %sub3A_144 : vector<16xi1>, vector<16xi32>
        %add3A_146 = arith.addi %select_n3A_141, %select_n3A_145 : vector<16xi32>
        %add3A_147 = arith.constant 1 : i32
        %add3A_148 = vector.broadcast %add3A_147 : i32 to vector<16xi32>
        %add3A_149 = arith.addi %add3A_146, %add3A_148 : vector<16xi32>
        %shift_right_arithmetic3A_150 = arith.constant 1 : i32
        %shift_right_arithmetic3A_151 = vector.broadcast %shift_right_arithmetic3A_150 : i32 to vector<16xi32>
        %shift_right_arithmetic3A_152 = arith.shrsi %add3A_149, %shift_right_arithmetic3A_151 : vector<16xi32>
        %gather3A_153 = tpu.vector_load_idx %arg5[%shift_right_arithmetic3A_152] : memref<352xi32, #tpu.memory_space<vmem>>[vector<16xi32>], vector<16xi32>,
        %le3A_154 = arith.cmpi sle, %gather3A_153, %add3A_88 : vector<16xi32>
        %select_n3A_155 = arith.select %le3A_154, %shift_right_arithmetic3A_152, %select_n3A_141 : vector<16xi1>, vector<16xi32>
        %sub3A_156 = arith.constant 1 : i32
        %sub3A_157 = vector.broadcast %sub3A_156 : i32 to vector<16xi32>
        %sub3A_158 = arith.subi %shift_right_arithmetic3A_152, %sub3A_157 : vector<16xi32>
        %select_n3A_159 = arith.select %le3A_154, %select_n3A_145, %sub3A_158 : vector<16xi1>, vector<16xi32>
        %add3A_160 = arith.addi %select_n3A_155, %select_n3A_159 : vector<16xi32>
        %add3A_161 = arith.constant 1 : i32
        %add3A_162 = vector.broadcast %add3A_161 : i32 to vector<16xi32>
        %add3A_163 = arith.addi %add3A_160, %add3A_162 : vector<16xi32>
        %shift_right_arithmetic3A_164 = arith.constant 1 : i32
        %shift_right_arithmetic3A_165 = vector.broadcast %shift_right_arithmetic3A_164 : i32 to vector<16xi32>
        %shift_right_arithmetic3A_166 = arith.shrsi %add3A_163, %shift_right_arithmetic3A_165 : vector<16xi32>
        %gather3A_167 = tpu.vector_load_idx %arg5[%shift_right_arithmetic3A_166] : memref<352xi32, #tpu.memory_space<vmem>>[vector<16xi32>], vector<16xi32>,
        %le3A_168 = arith.cmpi sle, %gather3A_167, %add3A_88 : vector<16xi32>
        %select_n3A_169 = arith.select %le3A_168, %shift_right_arithmetic3A_166, %select_n3A_155 : vector<16xi1>, vector<16xi32>
        %sub3A_170 = arith.constant 1 : i32
        %sub3A_171 = vector.broadcast %sub3A_170 : i32 to vector<16xi32>
        %sub3A_172 = arith.subi %shift_right_arithmetic3A_166, %sub3A_171 : vector<16xi32>
        %select_n3A_173 = arith.select %le3A_168, %select_n3A_159, %sub3A_172 : vector<16xi1>, vector<16xi32>
        %add3A_174 = arith.addi %select_n3A_169, %select_n3A_173 : vector<16xi32>
        %add3A_175 = arith.constant 1 : i32
        %add3A_176 = vector.broadcast %add3A_175 : i32 to vector<16xi32>
        %add3A_177 = arith.addi %add3A_174, %add3A_176 : vector<16xi32>
        %shift_right_arithmetic3A_178 = arith.constant 1 : i32
        %shift_right_arithmetic3A_179 = vector.broadcast %shift_right_arithmetic3A_178 : i32 to vector<16xi32>
        %shift_right_arithmetic3A_180 = arith.shrsi %add3A_177, %shift_right_arithmetic3A_179 : vector<16xi32>
        %gather3A_181 = tpu.vector_load_idx %arg5[%shift_right_arithmetic3A_180] : memref<352xi32, #tpu.memory_space<vmem>>[vector<16xi32>], vector<16xi32>,
        %le3A_182 = arith.cmpi sle, %gather3A_181, %add3A_88 : vector<16xi32>
        %select_n3A_183 = arith.select %le3A_182, %shift_right_arithmetic3A_180, %select_n3A_169 : vector<16xi1>, vector<16xi32>
        %sub3A_184 = arith.constant 1 : i32
        %sub3A_185 = vector.broadcast %sub3A_184 : i32 to vector<16xi32>
        %sub3A_186 = arith.subi %shift_right_arithmetic3A_180, %sub3A_185 : vector<16xi32>
        %select_n3A_187 = arith.select %le3A_182, %select_n3A_173, %sub3A_186 : vector<16xi1>, vector<16xi32>
        %add3A_188 = arith.addi %select_n3A_183, %select_n3A_187 : vector<16xi32>
        %add3A_189 = arith.constant 1 : i32
        %add3A_190 = vector.broadcast %add3A_189 : i32 to vector<16xi32>
        %add3A_191 = arith.addi %add3A_188, %add3A_190 : vector<16xi32>
        %shift_right_arithmetic3A_192 = arith.constant 1 : i32
        %shift_right_arithmetic3A_193 = vector.broadcast %shift_right_arithmetic3A_192 : i32 to vector<16xi32>
        %shift_right_arithmetic3A_194 = arith.shrsi %add3A_191, %shift_right_arithmetic3A_193 : vector<16xi32>
        %gather3A_195 = tpu.vector_load_idx %arg5[%shift_right_arithmetic3A_194] : memref<352xi32, #tpu.memory_space<vmem>>[vector<16xi32>], vector<16xi32>,
        %le3A_196 = arith.cmpi sle, %gather3A_195, %add3A_88 : vector<16xi32>
        %select_n3A_197 = arith.select %le3A_196, %shift_right_arithmetic3A_194, %select_n3A_183 : vector<16xi1>, vector<16xi32>
        %sub3A_198 = arith.constant 1 : i32
        %sub3A_199 = vector.broadcast %sub3A_198 : i32 to vector<16xi32>
        %sub3A_200 = arith.subi %shift_right_arithmetic3A_194, %sub3A_199 : vector<16xi32>
        %select_n3A_201 = arith.select %le3A_196, %select_n3A_187, %sub3A_200 : vector<16xi1>, vector<16xi32>
        %add3A_202 = arith.addi %select_n3A_197, %select_n3A_201 : vector<16xi32>
        %add3A_203 = arith.constant 1 : i32
        %add3A_204 = vector.broadcast %add3A_203 : i32 to vector<16xi32>
        %add3A_205 = arith.addi %add3A_202, %add3A_204 : vector<16xi32>
        %shift_right_arithmetic3A_206 = arith.constant 1 : i32
        %shift_right_arithmetic3A_207 = vector.broadcast %shift_right_arithmetic3A_206 : i32 to vector<16xi32>
        %shift_right_arithmetic3A_208 = arith.shrsi %add3A_205, %shift_right_arithmetic3A_207 : vector<16xi32>
        %gather3A_209 = tpu.vector_load_idx %arg5[%shift_right_arithmetic3A_208] : memref<352xi32, #tpu.memory_space<vmem>>[vector<16xi32>], vector<16xi32>,
        %le3A_210 = arith.cmpi sle, %gather3A_209, %add3A_88 : vector<16xi32>
        %select_n3A_211 = arith.select %le3A_210, %shift_right_arithmetic3A_208, %select_n3A_197 : vector<16xi1>, vector<16xi32>
        %sub3A_212 = arith.constant 1 : i32
        %sub3A_213 = vector.broadcast %sub3A_212 : i32 to vector<16xi32>
        %sub3A_214 = arith.subi %shift_right_arithmetic3A_208, %sub3A_213 : vector<16xi32>
        %select_n3A_215 = arith.select %le3A_210, %select_n3A_201, %sub3A_214 : vector<16xi1>, vector<16xi32>
        %ge3A = arith.cmpi sge, %add3A_88, %broadcast_in_dim3A_56 : vector<16xi32>
        %lt3A = arith.cmpi slt, %add3A_88, %broadcast_in_dim3A_57 : vector<16xi32>
        %and3A_216 = arith.andi %ge3A, %lt3A : vector<16xi1>
        %broadcast_in_dim3A_217 = arith.constant 320 : i32
        %broadcast_in_dim3A_218 = vector.broadcast %broadcast_in_dim3A_217 : i32 to vector<16xi32>
        %select_n3A_219 = arith.select %and3A_216, %select_n3A_211, %broadcast_in_dim3A_218 : vector<16xi1>, vector<16xi32>
        %mul3A_220 = arith.constant 16 : i32
        %mul3A_221 = arith.muli %scan3A_83, %mul3A_220 : i32
        %swap3A = arith.index_cast %mul3A_221 : i32 to index
        %swap3A_222 = tpu.vector_load %arg8[%swap3A] {strides = array<i32>} : memref<144xi32, #tpu.memory_space<vmem>>, vector<16xi32>,
        tpu.vector_store %arg8[%swap3A], %select_n3A_219 {strides = array<i32>} : memref<144xi32, #tpu.memory_space<vmem>>, vector<16xi32>,
      }
      %scan3A_76 = arith.constant 8 : i32
      %scan3A_77 = arith.constant 0 : i32
      %scan3A_78 = arith.constant 0 : i32
      %scan3A_79 = arith.constant 128 : i32
      %scan3A_80 = arith.addi %scan3A_78, %scan3A_79 : i32
      %scan3A_81 = arith.constant 1 : i32
      scf.for %scan3A_83 = %scan3A_78 to %scan3A_80 step %scan3A_81  : i32 {
        %get3A_84 = arith.index_cast %scan3A_83 : i32 to index
        %get3A_85 = tpu.vector_load %arg8[%get3A_84] {strides = array<i32>} : memref<144xi32, #tpu.memory_space<vmem>>, vector<16xi32>,
        %slice3A_86 = vector.extract_strided_slice %get3A_85 {offsets = [0], sizes = [1], strides = [1]} : vector<16xi32> to vector<1xi32>
        %squeeze3A_87 = vector.extract %slice3A_86[0] : i32 from vector<1xi32>
        %broadcast_in_dim3A_88 = vector.broadcast %squeeze3A_87 : i32 to vector<16xi32>
        %add3A_89 = arith.constant 0 : i32
        %add3A_90 = vector.broadcast %add3A_89 : i32 to vector<16xi32>
        %add3A_91 = arith.addi %iota3A, %add3A_90 : vector<16xi32>
        %get3A_92 = arith.index_cast %scan3A_83 : i32 to index
        %get3A_93 = arith.constant 0 : index
        %get3A_94 = tpu.vector_load %arg6[%get3A_92, %get3A_93] {strides = array<i32>} : memref<128x128xf32, #tpu.memory_space<vmem>>, vector<16xf32>,
        tpu.vector_store_idx %arg7[%broadcast_in_dim3A_88, %add3A_91], %get3A_94 {add = true} : memref<321x128xf32, #tpu.memory_space<vmem>>[vector<16xi32>, vector<16xi32>], vector<16xf32>,
        %add3A_95 = arith.constant 16 : i32
        %add3A_96 = vector.broadcast %add3A_95 : i32 to vector<16xi32>
        %add3A_97 = arith.addi %iota3A, %add3A_96 : vector<16xi32>
        %get3A_98 = arith.index_cast %scan3A_83 : i32 to index
        %get3A_99 = arith.constant 16 : index
        %get3A_100 = tpu.vector_load %arg6[%get3A_98, %get3A_99] {strides = array<i32>} : memref<128x128xf32, #tpu.memory_space<vmem>>, vector<16xf32>,
        tpu.vector_store_idx %arg7[%broadcast_in_dim3A_88, %add3A_97], %get3A_100 {add = true} : memref<321x128xf32, #tpu.memory_space<vmem>>[vector<16xi32>, vector<16xi32>], vector<16xf32>,
        %add3A_101 = arith.constant 32 : i32
        %add3A_102 = vector.broadcast %add3A_101 : i32 to vector<16xi32>
        %add3A_103 = arith.addi %iota3A, %add3A_102 : vector<16xi32>
        %get3A_104 = arith.index_cast %scan3A_83 : i32 to index
        %get3A_105 = arith.constant 32 : index
        %get3A_106 = tpu.vector_load %arg6[%get3A_104, %get3A_105] {strides = array<i32>} : memref<128x128xf32, #tpu.memory_space<vmem>>, vector<16xf32>,
        tpu.vector_store_idx %arg7[%broadcast_in_dim3A_88, %add3A_103], %get3A_106 {add = true} : memref<321x128xf32, #tpu.memory_space<vmem>>[vector<16xi32>, vector<16xi32>], vector<16xf32>,
        %add3A_107 = arith.constant 48 : i32
        %add3A_108 = vector.broadcast %add3A_107 : i32 to vector<16xi32>
        %add3A_109 = arith.addi %iota3A, %add3A_108 : vector<16xi32>
        %get3A_110 = arith.index_cast %scan3A_83 : i32 to index
        %get3A_111 = arith.constant 48 : index
        %get3A_112 = tpu.vector_load %arg6[%get3A_110, %get3A_111] {strides = array<i32>} : memref<128x128xf32, #tpu.memory_space<vmem>>, vector<16xf32>,
        tpu.vector_store_idx %arg7[%broadcast_in_dim3A_88, %add3A_109], %get3A_112 {add = true} : memref<321x128xf32, #tpu.memory_space<vmem>>[vector<16xi32>, vector<16xi32>], vector<16xf32>,
        %add3A_113 = arith.constant 64 : i32
        %add3A_114 = vector.broadcast %add3A_113 : i32 to vector<16xi32>
        %add3A_115 = arith.addi %iota3A, %add3A_114 : vector<16xi32>
        %get3A_116 = arith.index_cast %scan3A_83 : i32 to index
        %get3A_117 = arith.constant 64 : index
        %get3A_118 = tpu.vector_load %arg6[%get3A_116, %get3A_117] {strides = array<i32>} : memref<128x128xf32, #tpu.memory_space<vmem>>, vector<16xf32>,
        tpu.vector_store_idx %arg7[%broadcast_in_dim3A_88, %add3A_115], %get3A_118 {add = true} : memref<321x128xf32, #tpu.memory_space<vmem>>[vector<16xi32>, vector<16xi32>], vector<16xf32>,
        %add3A_119 = arith.constant 80 : i32
        %add3A_120 = vector.broadcast %add3A_119 : i32 to vector<16xi32>
        %add3A_121 = arith.addi %iota3A, %add3A_120 : vector<16xi32>
        %get3A_122 = arith.index_cast %scan3A_83 : i32 to index
        %get3A_123 = arith.constant 80 : index
        %get3A_124 = tpu.vector_load %arg6[%get3A_122, %get3A_123] {strides = array<i32>} : memref<128x128xf32, #tpu.memory_space<vmem>>, vector<16xf32>,
        tpu.vector_store_idx %arg7[%broadcast_in_dim3A_88, %add3A_121], %get3A_124 {add = true} : memref<321x128xf32, #tpu.memory_space<vmem>>[vector<16xi32>, vector<16xi32>], vector<16xf32>,
        %add3A_125 = arith.constant 96 : i32
        %add3A_126 = vector.broadcast %add3A_125 : i32 to vector<16xi32>
        %add3A_127 = arith.addi %iota3A, %add3A_126 : vector<16xi32>
        %get3A_128 = arith.index_cast %scan3A_83 : i32 to index
        %get3A_129 = arith.constant 96 : index
        %get3A_130 = tpu.vector_load %arg6[%get3A_128, %get3A_129] {strides = array<i32>} : memref<128x128xf32, #tpu.memory_space<vmem>>, vector<16xf32>,
        tpu.vector_store_idx %arg7[%broadcast_in_dim3A_88, %add3A_127], %get3A_130 {add = true} : memref<321x128xf32, #tpu.memory_space<vmem>>[vector<16xi32>, vector<16xi32>], vector<16xf32>,
        %add3A_131 = arith.constant 112 : i32
        %add3A_132 = vector.broadcast %add3A_131 : i32 to vector<16xi32>
        %add3A_133 = arith.addi %iota3A, %add3A_132 : vector<16xi32>
        %get3A_134 = arith.index_cast %scan3A_83 : i32 to index
        %get3A_135 = arith.constant 112 : index
        %get3A_136 = tpu.vector_load %arg6[%get3A_134, %get3A_135] {strides = array<i32>} : memref<128x128xf32, #tpu.memory_space<vmem>>, vector<16xf32>,
        tpu.vector_store_idx %arg7[%broadcast_in_dim3A_88, %add3A_133], %get3A_136 {add = true} : memref<321x128xf32, #tpu.memory_space<vmem>>[vector<16xi32>, vector<16xi32>], vector<16xf32>,
      }
      %scan3A_82 = arith.constant 128 : i32
    }
    %while3A_65 = arith.constant 1 : i32
    scf.for %while3A_66 = %while3A_63 to %while3A_59 step %while3A_65  : i32 {
      %mul3A_67 = arith.constant 128 : i32
      %mul3A_68 = arith.muli %while3A_66, %mul3A_67 : i32
      "tpu.region"() ({
        %run_scoped3A = tpu.sem_alloc : memref<!tpu.dma_semaphore, #tpu.memory_space<semaphore_mem>>
        %dma_start3A = arith.constant 0 : i32
        %dma_start3A_83 = tpu.memref_slice %arg3[%mul3A_68, %dma_start3A] : memref<320000x128xf32, #tpu.memory_space<hbm>> -> memref<128x128xf32, #tpu.memory_space<hbm>>
        %dma_start3A_84 = arith.constant 0 : i32
        %dma_start3A_85 = tpu.memref_slice %arg3[%mul3A_68, %dma_start3A_84] : memref<320000x128xf32, #tpu.memory_space<hbm>> -> memref<128x128xf32, #tpu.memory_space<hbm>>
        tpu.enqueue_dma source(%dma_start3A_85 : memref<128x128xf32, #tpu.memory_space<hbm>>) target(%arg6 : memref<128x128xf32, #tpu.memory_space<vmem>>) target_semaphore(%run_scoped3A : memref<!tpu.dma_semaphore, #tpu.memory_space<semaphore_mem>>)
        %dma_wait3A = arith.constant 0 : i32
        %dma_wait3A_86 = tpu.memref_slice %arg3[%mul3A_68, %dma_wait3A] : memref<320000x128xf32, #tpu.memory_space<hbm>> -> memref<128x128xf32, #tpu.memory_space<hbm>>
        %dma_wait3A_87 = arith.constant 0 : i32
        %dma_wait3A_88 = tpu.memref_slice %arg3[%mul3A_68, %dma_wait3A_87] : memref<320000x128xf32, #tpu.memory_space<hbm>> -> memref<128x128xf32, #tpu.memory_space<hbm>>
        tpu.wait_dma2 semaphore(%run_scoped3A : memref<!tpu.dma_semaphore, #tpu.memory_space<semaphore_mem>>) src(%dma_wait3A_88 : memref<128x128xf32, #tpu.memory_space<hbm>>) dst(%arg6 : memref<128x128xf32, #tpu.memory_space<vmem>>)
        tpu.yield
      }) : () -> ()
      %mul3A_69 = arith.constant 128 : i32
      %mul3A_70 = arith.muli %while3A_66, %mul3A_69 : i32
      %scan3A_71 = arith.constant 0 : i32
      %scan3A_72 = arith.constant 0 : i32
      %scan3A_73 = arith.constant 8 : i32
      %scan3A_74 = arith.addi %scan3A_72, %scan3A_73 : i32
      %scan3A_75 = arith.constant 1 : i32
      scf.for %scan3A_83 = %scan3A_72 to %scan3A_74 step %scan3A_75  : i32 {
        %mul3A_84 = arith.constant 16 : i32
        %mul3A_85 = arith.muli %scan3A_83, %mul3A_84 : i32
        %add3A_86 = arith.addi %mul3A_70, %mul3A_85 : i32
        %broadcast_in_dim3A_87 = vector.broadcast %add3A_86 : i32 to vector<16xi32>
        %add3A_88 = arith.addi %broadcast_in_dim3A_87, %iota3A : vector<16xi32>
        %broadcast_in_dim3A_89 = arith.constant 0 : i32
        %broadcast_in_dim3A_90 = vector.broadcast %broadcast_in_dim3A_89 : i32 to vector<16xi32>
        %broadcast_in_dim3A_91 = arith.constant 320 : i32
        %broadcast_in_dim3A_92 = vector.broadcast %broadcast_in_dim3A_91 : i32 to vector<16xi32>
        %add3A_93 = arith.addi %broadcast_in_dim3A_90, %broadcast_in_dim3A_92 : vector<16xi32>
        %add3A_94 = arith.constant 1 : i32
        %add3A_95 = vector.broadcast %add3A_94 : i32 to vector<16xi32>
        %add3A_96 = arith.addi %add3A_93, %add3A_95 : vector<16xi32>
        %shift_right_arithmetic3A = arith.constant 1 : i32
        %shift_right_arithmetic3A_97 = vector.broadcast %shift_right_arithmetic3A : i32 to vector<16xi32>
        %shift_right_arithmetic3A_98 = arith.shrsi %add3A_96, %shift_right_arithmetic3A_97 : vector<16xi32>
        %gather3A = tpu.vector_load_idx %arg5[%shift_right_arithmetic3A_98] : memref<352xi32, #tpu.memory_space<vmem>>[vector<16xi32>], vector<16xi32>,
        %le3A = arith.cmpi sle, %gather3A, %add3A_88 : vector<16xi32>
        %select_n3A_99 = arith.select %le3A, %shift_right_arithmetic3A_98, %broadcast_in_dim3A_90 : vector<16xi1>, vector<16xi32>
        %sub3A_100 = arith.constant 1 : i32
        %sub3A_101 = vector.broadcast %sub3A_100 : i32 to vector<16xi32>
        %sub3A_102 = arith.subi %shift_right_arithmetic3A_98, %sub3A_101 : vector<16xi32>
        %select_n3A_103 = arith.select %le3A, %broadcast_in_dim3A_92, %sub3A_102 : vector<16xi1>, vector<16xi32>
        %add3A_104 = arith.addi %select_n3A_99, %select_n3A_103 : vector<16xi32>
        %add3A_105 = arith.constant 1 : i32
        %add3A_106 = vector.broadcast %add3A_105 : i32 to vector<16xi32>
        %add3A_107 = arith.addi %add3A_104, %add3A_106 : vector<16xi32>
        %shift_right_arithmetic3A_108 = arith.constant 1 : i32
        %shift_right_arithmetic3A_109 = vector.broadcast %shift_right_arithmetic3A_108 : i32 to vector<16xi32>
        %shift_right_arithmetic3A_110 = arith.shrsi %add3A_107, %shift_right_arithmetic3A_109 : vector<16xi32>
        %gather3A_111 = tpu.vector_load_idx %arg5[%shift_right_arithmetic3A_110] : memref<352xi32, #tpu.memory_space<vmem>>[vector<16xi32>], vector<16xi32>,
        %le3A_112 = arith.cmpi sle, %gather3A_111, %add3A_88 : vector<16xi32>
        %select_n3A_113 = arith.select %le3A_112, %shift_right_arithmetic3A_110, %select_n3A_99 : vector<16xi1>, vector<16xi32>
        %sub3A_114 = arith.constant 1 : i32
        %sub3A_115 = vector.broadcast %sub3A_114 : i32 to vector<16xi32>
        %sub3A_116 = arith.subi %shift_right_arithmetic3A_110, %sub3A_115 : vector<16xi32>
        %select_n3A_117 = arith.select %le3A_112, %select_n3A_103, %sub3A_116 : vector<16xi1>, vector<16xi32>
        %add3A_118 = arith.addi %select_n3A_113, %select_n3A_117 : vector<16xi32>
        %add3A_119 = arith.constant 1 : i32
        %add3A_120 = vector.broadcast %add3A_119 : i32 to vector<16xi32>
        %add3A_121 = arith.addi %add3A_118, %add3A_120 : vector<16xi32>
        %shift_right_arithmetic3A_122 = arith.constant 1 : i32
        %shift_right_arithmetic3A_123 = vector.broadcast %shift_right_arithmetic3A_122 : i32 to vector<16xi32>
        %shift_right_arithmetic3A_124 = arith.shrsi %add3A_121, %shift_right_arithmetic3A_123 : vector<16xi32>
        %gather3A_125 = tpu.vector_load_idx %arg5[%shift_right_arithmetic3A_124] : memref<352xi32, #tpu.memory_space<vmem>>[vector<16xi32>], vector<16xi32>,
        %le3A_126 = arith.cmpi sle, %gather3A_125, %add3A_88 : vector<16xi32>
        %select_n3A_127 = arith.select %le3A_126, %shift_right_arithmetic3A_124, %select_n3A_113 : vector<16xi1>, vector<16xi32>
        %sub3A_128 = arith.constant 1 : i32
        %sub3A_129 = vector.broadcast %sub3A_128 : i32 to vector<16xi32>
        %sub3A_130 = arith.subi %shift_right_arithmetic3A_124, %sub3A_129 : vector<16xi32>
        %select_n3A_131 = arith.select %le3A_126, %select_n3A_117, %sub3A_130 : vector<16xi1>, vector<16xi32>
        %add3A_132 = arith.addi %select_n3A_127, %select_n3A_131 : vector<16xi32>
        %add3A_133 = arith.constant 1 : i32
        %add3A_134 = vector.broadcast %add3A_133 : i32 to vector<16xi32>
        %add3A_135 = arith.addi %add3A_132, %add3A_134 : vector<16xi32>
        %shift_right_arithmetic3A_136 = arith.constant 1 : i32
        %shift_right_arithmetic3A_137 = vector.broadcast %shift_right_arithmetic3A_136 : i32 to vector<16xi32>
        %shift_right_arithmetic3A_138 = arith.shrsi %add3A_135, %shift_right_arithmetic3A_137 : vector<16xi32>
        %gather3A_139 = tpu.vector_load_idx %arg5[%shift_right_arithmetic3A_138] : memref<352xi32, #tpu.memory_space<vmem>>[vector<16xi32>], vector<16xi32>,
        %le3A_140 = arith.cmpi sle, %gather3A_139, %add3A_88 : vector<16xi32>
        %select_n3A_141 = arith.select %le3A_140, %shift_right_arithmetic3A_138, %select_n3A_127 : vector<16xi1>, vector<16xi32>
        %sub3A_142 = arith.constant 1 : i32
        %sub3A_143 = vector.broadcast %sub3A_142 : i32 to vector<16xi32>
        %sub3A_144 = arith.subi %shift_right_arithmetic3A_138, %sub3A_143 : vector<16xi32>
        %select_n3A_145 = arith.select %le3A_140, %select_n3A_131, %sub3A_144 : vector<16xi1>, vector<16xi32>
        %add3A_146 = arith.addi %select_n3A_141, %select_n3A_145 : vector<16xi32>
        %add3A_147 = arith.constant 1 : i32
        %add3A_148 = vector.broadcast %add3A_147 : i32 to vector<16xi32>
        %add3A_149 = arith.addi %add3A_146, %add3A_148 : vector<16xi32>
        %shift_right_arithmetic3A_150 = arith.constant 1 : i32
        %shift_right_arithmetic3A_151 = vector.broadcast %shift_right_arithmetic3A_150 : i32 to vector<16xi32>
        %shift_right_arithmetic3A_152 = arith.shrsi %add3A_149, %shift_right_arithmetic3A_151 : vector<16xi32>
        %gather3A_153 = tpu.vector_load_idx %arg5[%shift_right_arithmetic3A_152] : memref<352xi32, #tpu.memory_space<vmem>>[vector<16xi32>], vector<16xi32>,
        %le3A_154 = arith.cmpi sle, %gather3A_153, %add3A_88 : vector<16xi32>
        %select_n3A_155 = arith.select %le3A_154, %shift_right_arithmetic3A_152, %select_n3A_141 : vector<16xi1>, vector<16xi32>
        %sub3A_156 = arith.constant 1 : i32
        %sub3A_157 = vector.broadcast %sub3A_156 : i32 to vector<16xi32>
        %sub3A_158 = arith.subi %shift_right_arithmetic3A_152, %sub3A_157 : vector<16xi32>
        %select_n3A_159 = arith.select %le3A_154, %select_n3A_145, %sub3A_158 : vector<16xi1>, vector<16xi32>
        %add3A_160 = arith.addi %select_n3A_155, %select_n3A_159 : vector<16xi32>
        %add3A_161 = arith.constant 1 : i32
        %add3A_162 = vector.broadcast %add3A_161 : i32 to vector<16xi32>
        %add3A_163 = arith.addi %add3A_160, %add3A_162 : vector<16xi32>
        %shift_right_arithmetic3A_164 = arith.constant 1 : i32
        %shift_right_arithmetic3A_165 = vector.broadcast %shift_right_arithmetic3A_164 : i32 to vector<16xi32>
        %shift_right_arithmetic3A_166 = arith.shrsi %add3A_163, %shift_right_arithmetic3A_165 : vector<16xi32>
        %gather3A_167 = tpu.vector_load_idx %arg5[%shift_right_arithmetic3A_166] : memref<352xi32, #tpu.memory_space<vmem>>[vector<16xi32>], vector<16xi32>,
        %le3A_168 = arith.cmpi sle, %gather3A_167, %add3A_88 : vector<16xi32>
        %select_n3A_169 = arith.select %le3A_168, %shift_right_arithmetic3A_166, %select_n3A_155 : vector<16xi1>, vector<16xi32>
        %sub3A_170 = arith.constant 1 : i32
        %sub3A_171 = vector.broadcast %sub3A_170 : i32 to vector<16xi32>
        %sub3A_172 = arith.subi %shift_right_arithmetic3A_166, %sub3A_171 : vector<16xi32>
        %select_n3A_173 = arith.select %le3A_168, %select_n3A_159, %sub3A_172 : vector<16xi1>, vector<16xi32>
        %add3A_174 = arith.addi %select_n3A_169, %select_n3A_173 : vector<16xi32>
        %add3A_175 = arith.constant 1 : i32
        %add3A_176 = vector.broadcast %add3A_175 : i32 to vector<16xi32>
        %add3A_177 = arith.addi %add3A_174, %add3A_176 : vector<16xi32>
        %shift_right_arithmetic3A_178 = arith.constant 1 : i32
        %shift_right_arithmetic3A_179 = vector.broadcast %shift_right_arithmetic3A_178 : i32 to vector<16xi32>
        %shift_right_arithmetic3A_180 = arith.shrsi %add3A_177, %shift_right_arithmetic3A_179 : vector<16xi32>
        %gather3A_181 = tpu.vector_load_idx %arg5[%shift_right_arithmetic3A_180] : memref<352xi32, #tpu.memory_space<vmem>>[vector<16xi32>], vector<16xi32>,
        %le3A_182 = arith.cmpi sle, %gather3A_181, %add3A_88 : vector<16xi32>
        %select_n3A_183 = arith.select %le3A_182, %shift_right_arithmetic3A_180, %select_n3A_169 : vector<16xi1>, vector<16xi32>
        %sub3A_184 = arith.constant 1 : i32
        %sub3A_185 = vector.broadcast %sub3A_184 : i32 to vector<16xi32>
        %sub3A_186 = arith.subi %shift_right_arithmetic3A_180, %sub3A_185 : vector<16xi32>
        %select_n3A_187 = arith.select %le3A_182, %select_n3A_173, %sub3A_186 : vector<16xi1>, vector<16xi32>
        %add3A_188 = arith.addi %select_n3A_183, %select_n3A_187 : vector<16xi32>
        %add3A_189 = arith.constant 1 : i32
        %add3A_190 = vector.broadcast %add3A_189 : i32 to vector<16xi32>
        %add3A_191 = arith.addi %add3A_188, %add3A_190 : vector<16xi32>
        %shift_right_arithmetic3A_192 = arith.constant 1 : i32
        %shift_right_arithmetic3A_193 = vector.broadcast %shift_right_arithmetic3A_192 : i32 to vector<16xi32>
        %shift_right_arithmetic3A_194 = arith.shrsi %add3A_191, %shift_right_arithmetic3A_193 : vector<16xi32>
        %gather3A_195 = tpu.vector_load_idx %arg5[%shift_right_arithmetic3A_194] : memref<352xi32, #tpu.memory_space<vmem>>[vector<16xi32>], vector<16xi32>,
        %le3A_196 = arith.cmpi sle, %gather3A_195, %add3A_88 : vector<16xi32>
        %select_n3A_197 = arith.select %le3A_196, %shift_right_arithmetic3A_194, %select_n3A_183 : vector<16xi1>, vector<16xi32>
        %sub3A_198 = arith.constant 1 : i32
        %sub3A_199 = vector.broadcast %sub3A_198 : i32 to vector<16xi32>
        %sub3A_200 = arith.subi %shift_right_arithmetic3A_194, %sub3A_199 : vector<16xi32>
        %select_n3A_201 = arith.select %le3A_196, %select_n3A_187, %sub3A_200 : vector<16xi1>, vector<16xi32>
        %add3A_202 = arith.addi %select_n3A_197, %select_n3A_201 : vector<16xi32>
        %add3A_203 = arith.constant 1 : i32
        %add3A_204 = vector.broadcast %add3A_203 : i32 to vector<16xi32>
        %add3A_205 = arith.addi %add3A_202, %add3A_204 : vector<16xi32>
        %shift_right_arithmetic3A_206 = arith.constant 1 : i32
        %shift_right_arithmetic3A_207 = vector.broadcast %shift_right_arithmetic3A_206 : i32 to vector<16xi32>
        %shift_right_arithmetic3A_208 = arith.shrsi %add3A_205, %shift_right_arithmetic3A_207 : vector<16xi32>
        %gather3A_209 = tpu.vector_load_idx %arg5[%shift_right_arithmetic3A_208] : memref<352xi32, #tpu.memory_space<vmem>>[vector<16xi32>], vector<16xi32>,
        %le3A_210 = arith.cmpi sle, %gather3A_209, %add3A_88 : vector<16xi32>
        %select_n3A_211 = arith.select %le3A_210, %shift_right_arithmetic3A_208, %select_n3A_197 : vector<16xi1>, vector<16xi32>
        %sub3A_212 = arith.constant 1 : i32
        %sub3A_213 = vector.broadcast %sub3A_212 : i32 to vector<16xi32>
        %sub3A_214 = arith.subi %shift_right_arithmetic3A_208, %sub3A_213 : vector<16xi32>
        %select_n3A_215 = arith.select %le3A_210, %select_n3A_201, %sub3A_214 : vector<16xi1>, vector<16xi32>
        %ge3A = arith.cmpi sge, %add3A_88, %broadcast_in_dim3A_56 : vector<16xi32>
        %lt3A = arith.cmpi slt, %add3A_88, %broadcast_in_dim3A_57 : vector<16xi32>
        %and3A_216 = arith.andi %ge3A, %lt3A : vector<16xi1>
        %broadcast_in_dim3A_217 = arith.constant 320 : i32
        %broadcast_in_dim3A_218 = vector.broadcast %broadcast_in_dim3A_217 : i32 to vector<16xi32>
        %select_n3A_219 = arith.select %and3A_216, %select_n3A_211, %broadcast_in_dim3A_218 : vector<16xi1>, vector<16xi32>
        %mul3A_220 = arith.constant 16 : i32
        %mul3A_221 = arith.muli %scan3A_83, %mul3A_220 : i32
        %swap3A = arith.index_cast %mul3A_221 : i32 to index
        %swap3A_222 = tpu.vector_load %arg8[%swap3A] {strides = array<i32>} : memref<144xi32, #tpu.memory_space<vmem>>, vector<16xi32>,
        tpu.vector_store %arg8[%swap3A], %select_n3A_219 {strides = array<i32>} : memref<144xi32, #tpu.memory_space<vmem>>, vector<16xi32>,
      }
      %scan3A_76 = arith.constant 8 : i32
      %scan3A_77 = arith.constant 0 : i32
      %scan3A_78 = arith.constant 0 : i32
      %scan3A_79 = arith.constant 128 : i32
      %scan3A_80 = arith.addi %scan3A_78, %scan3A_79 : i32
      %scan3A_81 = arith.constant 1 : i32
      scf.for %scan3A_83 = %scan3A_78 to %scan3A_80 step %scan3A_81  : i32 {
        %get3A_84 = arith.index_cast %scan3A_83 : i32 to index
        %get3A_85 = tpu.vector_load %arg8[%get3A_84] {strides = array<i32>} : memref<144xi32, #tpu.memory_space<vmem>>, vector<16xi32>,
        %slice3A_86 = vector.extract_strided_slice %get3A_85 {offsets = [0], sizes = [1], strides = [1]} : vector<16xi32> to vector<1xi32>
        %squeeze3A_87 = vector.extract %slice3A_86[0] : i32 from vector<1xi32>
        %broadcast_in_dim3A_88 = vector.broadcast %squeeze3A_87 : i32 to vector<16xi32>
        %add3A_89 = arith.constant 0 : i32
        %add3A_90 = vector.broadcast %add3A_89 : i32 to vector<16xi32>
        %add3A_91 = arith.addi %iota3A, %add3A_90 : vector<16xi32>
        %get3A_92 = arith.index_cast %scan3A_83 : i32 to index
        %get3A_93 = arith.constant 0 : index
        %get3A_94 = tpu.vector_load %arg6[%get3A_92, %get3A_93] {strides = array<i32>} : memref<128x128xf32, #tpu.memory_space<vmem>>, vector<16xf32>,
        tpu.vector_store_idx %arg7[%broadcast_in_dim3A_88, %add3A_91], %get3A_94 {add = true} : memref<321x128xf32, #tpu.memory_space<vmem>>[vector<16xi32>, vector<16xi32>], vector<16xf32>,
        %add3A_95 = arith.constant 16 : i32
        %add3A_96 = vector.broadcast %add3A_95 : i32 to vector<16xi32>
        %add3A_97 = arith.addi %iota3A, %add3A_96 : vector<16xi32>
        %get3A_98 = arith.index_cast %scan3A_83 : i32 to index
        %get3A_99 = arith.constant 16 : index
        %get3A_100 = tpu.vector_load %arg6[%get3A_98, %get3A_99] {strides = array<i32>} : memref<128x128xf32, #tpu.memory_space<vmem>>, vector<16xf32>,
        tpu.vector_store_idx %arg7[%broadcast_in_dim3A_88, %add3A_97], %get3A_100 {add = true} : memref<321x128xf32, #tpu.memory_space<vmem>>[vector<16xi32>, vector<16xi32>], vector<16xf32>,
        %add3A_101 = arith.constant 32 : i32
        %add3A_102 = vector.broadcast %add3A_101 : i32 to vector<16xi32>
        %add3A_103 = arith.addi %iota3A, %add3A_102 : vector<16xi32>
        %get3A_104 = arith.index_cast %scan3A_83 : i32 to index
        %get3A_105 = arith.constant 32 : index
        %get3A_106 = tpu.vector_load %arg6[%get3A_104, %get3A_105] {strides = array<i32>} : memref<128x128xf32, #tpu.memory_space<vmem>>, vector<16xf32>,
        tpu.vector_store_idx %arg7[%broadcast_in_dim3A_88, %add3A_103], %get3A_106 {add = true} : memref<321x128xf32, #tpu.memory_space<vmem>>[vector<16xi32>, vector<16xi32>], vector<16xf32>,
        %add3A_107 = arith.constant 48 : i32
        %add3A_108 = vector.broadcast %add3A_107 : i32 to vector<16xi32>
        %add3A_109 = arith.addi %iota3A, %add3A_108 : vector<16xi32>
        %get3A_110 = arith.index_cast %scan3A_83 : i32 to index
        %get3A_111 = arith.constant 48 : index
        %get3A_112 = tpu.vector_load %arg6[%get3A_110, %get3A_111] {strides = array<i32>} : memref<128x128xf32, #tpu.memory_space<vmem>>, vector<16xf32>,
        tpu.vector_store_idx %arg7[%broadcast_in_dim3A_88, %add3A_109], %get3A_112 {add = true} : memref<321x128xf32, #tpu.memory_space<vmem>>[vector<16xi32>, vector<16xi32>], vector<16xf32>,
        %add3A_113 = arith.constant 64 : i32
        %add3A_114 = vector.broadcast %add3A_113 : i32 to vector<16xi32>
        %add3A_115 = arith.addi %iota3A, %add3A_114 : vector<16xi32>
        %get3A_116 = arith.index_cast %scan3A_83 : i32 to index
        %get3A_117 = arith.constant 64 : index
        %get3A_118 = tpu.vector_load %arg6[%get3A_116, %get3A_117] {strides = array<i32>} : memref<128x128xf32, #tpu.memory_space<vmem>>, vector<16xf32>,
        tpu.vector_store_idx %arg7[%broadcast_in_dim3A_88, %add3A_115], %get3A_118 {add = true} : memref<321x128xf32, #tpu.memory_space<vmem>>[vector<16xi32>, vector<16xi32>], vector<16xf32>,
        %add3A_119 = arith.constant 80 : i32
        %add3A_120 = vector.broadcast %add3A_119 : i32 to vector<16xi32>
        %add3A_121 = arith.addi %iota3A, %add3A_120 : vector<16xi32>
        %get3A_122 = arith.index_cast %scan3A_83 : i32 to index
        %get3A_123 = arith.constant 80 : index
        %get3A_124 = tpu.vector_load %arg6[%get3A_122, %get3A_123] {strides = array<i32>} : memref<128x128xf32, #tpu.memory_space<vmem>>, vector<16xf32>,
        tpu.vector_store_idx %arg7[%broadcast_in_dim3A_88, %add3A_121], %get3A_124 {add = true} : memref<321x128xf32, #tpu.memory_space<vmem>>[vector<16xi32>, vector<16xi32>], vector<16xf32>,
        %add3A_125 = arith.constant 96 : i32
        %add3A_126 = vector.broadcast %add3A_125 : i32 to vector<16xi32>
        %add3A_127 = arith.addi %iota3A, %add3A_126 : vector<16xi32>
        %get3A_128 = arith.index_cast %scan3A_83 : i32 to index
        %get3A_129 = arith.constant 96 : index
        %get3A_130 = tpu.vector_load %arg6[%get3A_128, %get3A_129] {strides = array<i32>} : memref<128x128xf32, #tpu.memory_space<vmem>>, vector<16xf32>,
        tpu.vector_store_idx %arg7[%broadcast_in_dim3A_88, %add3A_127], %get3A_130 {add = true} : memref<321x128xf32, #tpu.memory_space<vmem>>[vector<16xi32>, vector<16xi32>], vector<16xf32>,
        %add3A_131 = arith.constant 112 : i32
        %add3A_132 = vector.broadcast %add3A_131 : i32 to vector<16xi32>
        %add3A_133 = arith.addi %iota3A, %add3A_132 : vector<16xi32>
        %get3A_134 = arith.index_cast %scan3A_83 : i32 to index
        %get3A_135 = arith.constant 112 : index
        %get3A_136 = tpu.vector_load %arg6[%get3A_134, %get3A_135] {strides = array<i32>} : memref<128x128xf32, #tpu.memory_space<vmem>>, vector<16xf32>,
        tpu.vector_store_idx %arg7[%broadcast_in_dim3A_88, %add3A_133], %get3A_136 {add = true} : memref<321x128xf32, #tpu.memory_space<vmem>>[vector<16xi32>, vector<16xi32>], vector<16xf32>,
      }
      %scan3A_82 = arith.constant 128 : i32
    }
    "tpu.region"() ({
      %run_scoped3A = tpu.sem_alloc : memref<!tpu.dma_semaphore, #tpu.memory_space<semaphore_mem>>
      %dma_start3A = arith.constant 0 : i32
      %dma_start3A_66 = arith.constant 0 : i32
      %dma_start3A_67 = tpu.memref_slice %arg7[%dma_start3A, %dma_start3A_66] : memref<321x128xf32, #tpu.memory_space<vmem>> -> memref<320x128xf32, #tpu.memory_space<vmem>>
      %dma_start3A_68 = arith.constant 0 : i32
      %dma_start3A_69 = tpu.memref_slice %arg4[%mul3A_2, %dma_start3A_68] : memref<10240x128xf32, #tpu.memory_space<hbm>> -> memref<320x128xf32, #tpu.memory_space<hbm>>
      %dma_start3A_70 = arith.constant 0 : i32
      %dma_start3A_71 = tpu.memref_slice %arg4[%mul3A_2, %dma_start3A_70] : memref<10240x128xf32, #tpu.memory_space<hbm>> -> memref<320x128xf32, #tpu.memory_space<hbm>>
      %dma_start3A_72 = arith.constant 0 : i32
      %dma_start3A_73 = arith.constant 0 : i32
      %dma_start3A_74 = tpu.memref_slice %arg7[%dma_start3A_72, %dma_start3A_73] : memref<321x128xf32, #tpu.memory_space<vmem>> -> memref<320x128xf32, #tpu.memory_space<vmem>>
      tpu.enqueue_dma source(%dma_start3A_74 : memref<320x128xf32, #tpu.memory_space<vmem>>) target(%dma_start3A_71 : memref<320x128xf32, #tpu.memory_space<hbm>>) target_semaphore(%run_scoped3A : memref<!tpu.dma_semaphore, #tpu.memory_space<semaphore_mem>>)
      %dma_wait3A = arith.constant 0 : i32
      %dma_wait3A_75 = arith.constant 0 : i32
      %dma_wait3A_76 = tpu.memref_slice %arg7[%dma_wait3A, %dma_wait3A_75] : memref<321x128xf32, #tpu.memory_space<vmem>> -> memref<320x128xf32, #tpu.memory_space<vmem>>
      %dma_wait3A_77 = arith.constant 0 : i32
      %dma_wait3A_78 = tpu.memref_slice %arg4[%mul3A_2, %dma_wait3A_77] : memref<10240x128xf32, #tpu.memory_space<hbm>> -> memref<320x128xf32, #tpu.memory_space<hbm>>
      %dma_wait3A_79 = arith.constant 0 : i32
      %dma_wait3A_80 = tpu.memref_slice %arg4[%mul3A_2, %dma_wait3A_79] : memref<10240x128xf32, #tpu.memory_space<hbm>> -> memref<320x128xf32, #tpu.memory_space<hbm>>
      %dma_wait3A_81 = arith.constant 0 : i32
      %dma_wait3A_82 = arith.constant 0 : i32
      %dma_wait3A_83 = tpu.memref_slice %arg7[%dma_wait3A_81, %dma_wait3A_82] : memref<321x128xf32, #tpu.memory_space<vmem>> -> memref<320x128xf32, #tpu.memory_space<vmem>>
      tpu.wait_dma2 semaphore(%run_scoped3A : memref<!tpu.dma_semaphore, #tpu.memory_space<semaphore_mem>>) src(%dma_wait3A_83 : memref<320x128xf32, #tpu.memory_space<vmem>>) dst(%dma_wait3A_80 : memref<320x128xf32, #tpu.memory_space<hbm>>)
      tpu.yield
    }) : () -> ()
    return
  }
}

</mosaic_0001>

<sc_bundles>
// kernel: kernel.3.cloned.1.call-start
scs
__scs_entry_jumppad:
0x0: {  	(pc) =	sbr.rel $0x88, $3  }
0x1: {  	(tag) =	ssettag $0x0;
	lr =	simm.s32 $0x1  }
0x2: {  	[smem:$0x3F9F] =	sst lr;
	_ =	strace $0xD0000000  }
0x3: {  	_ = 	snop  }
0x4: {  	_ = 	snop  }
0x5: {  	_ = 	snop  }
0x6: {  	_ = 	snop  }
0x7: {  	_ = 	snop  }
__scs_overlays_trampoline_lowered:
0x8: {  	[smem:$0x3FAE] =	sst s0  }
0x9: {  	[smem:$0x3FAF] =	sst s1  }
0xa: {  	[smem:$0x3FB0] =	sst s2  }
0xb: {  	[smem:$0x3FB1] =	sst s3  }
0xc: {  	[smem:$0x3FB2] =	sst s4  }
0xd: {  	[smem:$0x3FB3] =	sst s5  }
0xe: {  	[smem:$0x3FB4] =	sst s6  }
0xf: {  	[smem:$0x3FB5] =	sst s7  }
0x10: {  	[smem:$0x3FB6] =	sst s8  }
0x11: {  	[smem:$0x3FB7] =	sst s9;
	s0 =	simm.s32 @!p0 $0x0  }
0x12: {  	s1 =	sld [smem:$0x3F9D];
	s0 =	simm.s32 @p0 $0x1  }
0x13: {  	[smem:$0x3FB8] =	sst s0;
	s0 =	simm.s32 @!p1 $0x0  }
0x14: {  	s2 =	sld [smem:$0x3F9C];
	s0 =	simm.s32 @p1 $0x1  }
0x15: {  	[smem:$0x3FB9] =	sst s0;
	s0 =	simm.s32 @!p2 $0x0  }
0x16: {  	s3 =	sld [smem:$0x3FDB];
	s0 =	simm.s32 @p2 $0x1  }
0x17: {  	s4 =	simm.s32 $0x1BF5;
	[smem:$0x3FBB] =	sst s0  }
0x18: {  	s0 =	sld [smem:$0x3F9E];
	_ =	swait.ge [sflag:s4], $0x0  }
0x19: {  	s7 =	sld [smem:$0x3F9F]  }
0x1a: {  	s8 =	sadd.s32 $0xFFFFE003, lr  }
0x1b: {  	s9 =	sadd.s32 $0xFFFFFEF7, lr;
	s5 =	simm.s32 $0xFFFFFFFF;
	p2 =	slt.u32 s8, $0xFFFFF086  }
0x1c: {  	p1 =	slt.u32 s9, $0xF7A;
	s5 =	simm.s32 @!p2 $0x0  }
0x1d: {  	s5 =	simm.s32 @p1 $0x1;
	p0 =	seq.s32 s7, s2  }
0x1e: {  	s7 =	smul.u32 @!p0 $0xF7A, s2;
	p2 =	seq.s32 @!p0 s5, $0x0  }
0x1f: {  	s9 =	smul.u32 $0xF7A, s1;
	s8 =	simm.s32 @!p0 $0x1BF5;
	p2 =	por !p2, p0  }
0x20: {  	[sflag:s8] =	ssyncset.s32 @!p0 $0xFFFFF086;
	s6 =	sadd.s32 @!p0 s3, s7;
	s7 =	simm.s32 @!p0 $0x108  }
0x21: {  	s3 =	sadd.s32 s3, s9;
	s6 =	sadd.s32 @!p0 $0x88, s6;
	s7 =	simm.s32 @p2 $0x1082  }
0x22: {  	[simem:s7], [sflag:s8] =	dma.local @!p0 [hbm:s6], $0xF7A  }
0x23: {  	s9 =	sor.u32 $0xD0000000, s2;
	s6 =	simm.s32 $0x108;
	_ =	swait.ge @!p0 [sflag:s8], $0x0  }
0x24: {  	s3 =	sadd.s32 $0x88, s3;
	s6 =	simm.s32 @!p1 $0x1082;
	[sflag:s4] =	ssyncset.s32 $0xFFFFF086  }
0x25: {  	[simem:s6], [sflag:s4] =	dma.local [hbm:s3], $0xF7A  }
0x26: {  	[smem:$0x3F9F] =	sst s1;
	(tag) =	ssettag s2;
	_ =	strace s9  }
0x27: {  	s1 =	sld [smem:$0x3FAF]  }
0x28: {  	s2 =	sld [smem:$0x3FB0]  }
0x29: {  	s4 =	sld [smem:$0x3FB2]  }
0x2a: {  	p0 =	seq.s32 s5, $0x0;
	s5 =	sld [smem:$0x3FB3]  }
0x2b: {  	s6 =	sld [smem:$0x3FB4]  }
0x2c: {  	s7 =	sld [smem:$0x3FB5]  }
0x2d: {  	s3 =	simm.s32 $0x108;
	s8 =	sld [smem:$0x3FB6]  }
0x2e: {  	s3 =	simm.s32 @!p0 $0x1082;
	s9 =	sld [smem:$0x3FB7]  }
0x2f: {  	lr =	sadd.s32 s0, s3;
	s0 =	sld [smem:$0x3FAE]  }
0x30: {  	s3 =	sld [smem:$0x3FB1]  }
0x31: {  	[smem:$0x3FBA] =	sst s10  }
0x32: {  	s10 =	sld [smem:$0x3FB8];
	_ =	sdelay $0x3  }
0x33: {  	p0 =	seq.s32 s10, $0x1;
	s10 =	sld [smem:$0x3FBA];
	_ =	sdelay $0x3  }
0x34: {  	[smem:$0x3FBA] =	sst s10  }
0x35: {  	s10 =	sld [smem:$0x3FB9];
	_ =	sdelay $0x3  }
0x36: {  	p1 =	seq.s32 s10, $0x1;
	s10 =	sld [smem:$0x3FBA];
	_ =	sdelay $0x3  }
0x37: {  	[smem:$0x3FBA] =	sst s10  }
0x38: {  	s10 =	sld [smem:$0x3FBB]  }
0x39: {  	_ = 	snop;
	(pc) =	sbr.ind lr, $3  }
0x3a: {  	_ = 	snop  }
0x3b: {  	_ = 	snop  }
0x3c: {  	p2 =	seq.s32 s10, $0x1;
	s10 =	sld [smem:$0x3FBA]  }
0x3d: {  	_ =	shalt  }
0x3e: {  	_ =	shalt  }
0x3f: {  	_ =	shalt  }
0x40: {  	_ =	shalt  }
0x41: {  	_ =	shalt  }
0x42: {  	_ =	shalt  }
0x43: {  	_ =	shalt  }
0x44: {  	_ =	shalt  }
0x45: {  	_ =	shalt  }
0x46: {  	_ =	shalt  }
0x47: {  	_ =	shalt  }
0x48: {  	_ =	shalt  }
0x49: {  	_ =	shalt  }
0x4a: {  	_ =	shalt  }
0x4b: {  	_ =	shalt  }
0x4c: {  	_ =	shalt  }
0x4d: {  	_ =	shalt  }
0x4e: {  	_ =	shalt  }
0x4f: {  	_ =	shalt  }
0x50: {  	_ =	shalt  }
0x51: {  	_ =	shalt  }
0x52: {  	_ =	shalt  }
0x53: {  	_ =	shalt  }
0x54: {  	_ =	shalt  }
0x55: {  	_ =	shalt  }
0x56: {  	_ =	shalt  }
0x57: {  	_ =	shalt  }
0x58: {  	_ =	shalt  }
0x59: {  	_ =	shalt  }
0x5a: {  	_ =	shalt  }
0x5b: {  	_ =	shalt  }
0x5c: {  	_ =	shalt  }
0x5d: {  	_ =	shalt  }
0x5e: {  	_ =	shalt  }
0x5f: {  	_ =	shalt  }
0x60: {  	_ =	shalt  }
0x61: {  	_ =	shalt  }
0x62: {  	_ =	shalt  }
0x63: {  	_ =	shalt  }
0x64: {  	_ =	shalt  }
0x65: {  	_ =	shalt  }
0x66: {  	_ =	shalt  }
0x67: {  	_ =	shalt  }
0x68: {  	_ =	shalt  }
0x69: {  	_ =	shalt  }
0x6a: {  	_ =	shalt  }
0x6b: {  	_ =	shalt  }
0x6c: {  	_ =	shalt  }
0x6d: {  	_ =	shalt  }
0x6e: {  	_ =	shalt  }
0x6f: {  	_ =	shalt  }
0x70: {  	_ =	shalt  }
0x71: {  	_ =	shalt  }
0x72: {  	_ =	shalt  }
0x73: {  	_ =	shalt  }
0x74: {  	_ =	shalt  }
0x75: {  	_ =	shalt  }
0x76: {  	_ =	shalt  }
0x77: {  	_ =	shalt  }
0x78: {  	_ =	shalt  }
0x79: {  	_ =	shalt  }
0x7a: {  	_ =	shalt  }
0x7b: {  	_ =	shalt  }
0x7c: {  	_ =	shalt  }
0x7d: {  	_ =	shalt  }
0x7e: {  	_ =	shalt  }
0x7f: {  	_ =	shalt  }
0x80: {  	_ =	shalt  }
0x81: {  	_ =	shalt  }
0x82: {  	_ =	shalt  }
0x83: {  	_ =	shalt  }
0x84: {  	_ =	shalt  }
0x85: {  	_ =	shalt  }
0x86: {  	_ =	shalt  }
0x87: {  	_ =	shalt  }
.Lfunc_end0:
.L_simem_size_0:
called_computation_lowered:
.L_overlay_start_0:
0x88: {  	s2 =	sld [smem:$0x3FD9]  }
0x89: {  	s3 =	sld [smem:$0x3FFE];
	_ =	sdelay $0x1  }
0x8a: {  	s1 =	srdreg.scid  }
0x8b: {  	s0 =	sand.u32 $0x1, s1  }
0x8c: {  	s17 =	sshll.u32 s0, $0xA;
	s2 =	sadd.s32 s3, s2  }
0x8d: {  	s2 =	sadd.s32 s2, s17  }
0x8e: {  	[smem:$0x3FC6] =	sst s2  }
0x8f: {  	_ = 	snop  }
0x90: {  	s2 =	sld [smem:$0x3FC9]  }
0x91: {  	s18 =	sld [smem:$0x3FD0];
	(tm) =	ssettm $0x1  }
0x92: {  	s4 =	sld [smem:$0x3FFB];
	_ =	sdelay $0x3  }
0x93: {  	_ =	strace s4  }
0x94: {  	s4 =	sld [smem:$0x3FFC];
	_ =	sdelay $0x3  }
0x95: {  	_ =	strace s4  }
0x96: {  	s4 =	sld [smem:$0x3FFD];
	_ =	sdelay $0x3  }
0x97: {  	_ =	strace s4  }
0x98: {  	_ =	strace $0x8FFFFFFF  }
0x99: {  	s19 =	sld [smem:$0x3FDB];
	_ =	sdelay $0x1  }
0x9a: {  	s5 =	simm.s32 $_scs_section_size  }
0x9b: {  	s6 =	simm.s32 $_size__tile_overlayer_lowered;
	s7 =	simm.s32 $_tile_overlayer_lowered  }
0x9c: {  	s22 =	simm.s32 $0x1BFF;
	s21 =	sshll.u32 s7, $0x1;
	s4 =	sadd.s32 s5, s19  }
0x9d: {  	s8 =	simm.s32 $0x0;
	s20 =	sshll.u32 s6, $0x1;
	s6 =	sadd.s32 s21, s4  }
0x9e: {  	[timem:s8], [sflag:s22] =	dma.local [hbm:s6], s20  }
0x9f: {  	_ =	swait.ge [sflag:s22], s20  }
0xa0: {  	s5 =	ssub.s32 $0x0, s20;
	[sflag:s22] =	ssyncset.done $0x0  }
0xa1: {  	[sflag:s22] =	ssyncadd.s32 s5;
	_ =	sdelay $0x1  }
0xa2: {  	s23 =	simm.s32 $0x1B8B  }
0xa3: {  	_ =	swait.ge [sflag:s23], $0x1  }
0xa4: {  	[sflag:s23] =	ssyncset.done $0x0  }
0xa5: {  	s25 =	simm.s32 $0x1B8E;
	s24 =	sld [smem:$0x3FFE];
	[sflag:s23] =	ssyncadd.s32 $0xFFFFFFFF  }
0xa6: {  	s26 =	simm.s32 $execute0_lowered;
	[smem:$0x3FD2] =	sst s25  }
0xa7: {  	s6 =	sshll.u32 s26, $0x1;
	_ =	strace $0x80000046;
	[dreg:$0x1] =	wrdreg $0xFFFFFFFF  }
0xa8: {  	s28 =	simm.s32 $_size_execute0_lowered;
	s4 =	sadd.s32 s4, s6;
	[dreg:$0x0] =	wrdreg $0x0  }
0xa9: {  	s6 =	sshll.u32 s28, $0x1;
	[dreg:$0x2] =	wrdreg s4  }
0xaa: {  	[dreg:$0x3] =	wrdreg s6  }
0xab: {  	[dreg:$0x4] =	wrdreg $0xC0  }
0xac: {  	_ =	task [dreg:s8], $0x5FFFF  }
0xad: {  	[dreg:$0x1] =	wrdreg $0xFFFFFFFF  }
0xae: {  	[dreg:$0x0] =	wrdreg $0x60  }
0xaf: {  	[dreg:$0x2] =	wrdreg s18  }
0xb0: {  	[dreg:$0x3] =	wrdreg s2  }
0xb1: {  	[dreg:$0x4] =	wrdreg s24  }
0xb2: {  	[dreg:$0x5] =	wrdreg $0x9  }
0xb3: {  	_ =	task.clear_ibuf [dreg:s8], $0x6FFFF;
	_ =	strace $0x90000046  }
0xb4: {  	s29 =	simm.s32 $0x9;
	_ =	strace $0x80000048  }
0xb5: {  	_ =	swait.ge [sflag:s29], $0x1  }
0xb6: {  	[sflag:s29] =	ssyncadd.s32 $0xFFFFFFFF  }
0xb7: {  	_ =	strace $0x90000048  }
0xb8: {  	_ =	sfence  }
0xb9: {  	s30 =	sld [smem:$0x0];
	_ =	sdelay $0x2  }
0xba: {  	s31 =	sshll.u32 s1, $0xD;
	s1 =	sshrl.u32 s1, $0x2  }
0xbb: {  	s3 =	sand.u32 $0x4000, s31;
	s1 =	sadd.s32 s1, s30  }
0xbc: {  	s0 =	sor.u32 s3, s0;
	s1 =	sshll.u32 s1, $0x11  }
0xbd: {  	s0 =	sor.u32 s1, s0  }
0xbe: {  	s0 =	sadd.s32 $0x8F2B, s0  }
0xbf: {  	[sflag:s0] =	ssyncadd.remote.s32 $0x1  }
0xc0: {  	_ =	sfence.sel $0xFFFF  }
0xc1: {  	[dreg:$0x0] =	wrdreg $0xFFFFFFFF;
	(pc) =	sbr.abs _section_cstart, $3  }
0xc2: {  	[dreg:$0x1] =	wrdreg $0xFFFFFFFF  }
0xc3: {  	_ =	task.clear_ibuf [dreg:s8], $0x2FFFF;
	_ =	strace $0x9FFFFFFF  }
0xc4: {  	(tm) =	ssettm $0x7FFFFFFF  }
0xc5: {  	_ =	shalt  }
tec
execute0_lowered:
.L_overlay_start_1:
0x0: {  	(tag) =	ssettag $0x1  }
0x1: {  	s4 =	rddreg [dreg:$0x0]  }
0x2: {  	s1 =	srdreg.scid;
	s0 =	stileid.u32  }
0x3: {  	s2 =	rddreg [dreg:$0x1];
	s5 =	sand.u32 $0x1, s1;
	s30 =	sshll.u32 s0, $0x1  }
0x4: {  	s6 =	rddreg [dreg:$0x2];
	s7 =	sor.u32 s5, s30  }
0x5: {  	s3 =	simm.s32 $0x0;
	s10 =	simm.s32 $0x0;
	s8 =	smul.u32 $0x1400, s7  }
.Ltmp0:
0x6: {  	v2 =	vimm.s32 $0xA0;
	s1 =	rddreg [dreg:$0x3];
	s5 =	ssub.s32 $0x2, s5;
	(pc) =	sbr.rel .LBB2_1-.Ltmp0, $4  }
0x7: {  	v0 =	vimm.f32 $0.0e+00;
	v1 =	vlaneseq.u32;
	[smem:$0x7FF] =	sst s3;
	s7 =	smul.u32 $0x28, s7;
	s9 =	sshrl.u32 s5, $0x1  }
0x8: {  	v3 =	vimm.s32 $0x140;
	v4 =	vimm.s32 $0xF0;
	v5 =	vor.u32 $0x10, v1;
	_ =	strace $0x80000047;
	s31 =	ssub.s32 s5, s9;
	s9 =	simm.s32 $0x4180  }
0x9: {  	v6 =	vor.u32 $0x20, v1;
	v7 =	vor.u32 $0x30, v1;
	v8 =	vor.u32 $0x40, v1;
	s6 =	sadd.s32 s8, s6;
	s4 =	sadd.s32 s4, s7;
	s7 =	simm.s32 $0x1  }
0xa: {  	v9 =	vor.u32 $0x50, v1;
	v10 =	vor.u32 $0x60, v1;
	v11 =	vor.u32 $0x70, v1;
	s8 =	simm.s32 $0x180;
	s5 =	sadd.s32 $0x400, s6;
	s6 =	smax.u32 s31, $0x1  }
.LBB2_10:
0xb: {  	s10 =	sadd.s32 $0x1, s10  }
0xc: {  	p0 =	sne.s32 s10, s6  }
.Ltmp1:
0xd: {  	_ = 	snop;
	(pc) =	sbr.rel @!p0 .LBB2_11-.Ltmp1, $4  }
0xe: {  	[hbm4b:s5+s3] =	stream.linear.scatter [tilespmem:s9], [sflag:$0x1], $0xA000, $0x38;
	[tilespmem:$0xE680] =	vst v63  }
0xf: {  	_ =	swait.ge [sflag:s7], $0xA000  }
0x10: {  	[sflag:s7] =	ssyncset.done $0x0  }
0x11: {  	[sflag:s7] =	ssyncadd.s32 $0xFFFF6000  }
.LBB2_1:
0x12: {  	[tilespmem:s3], [sflag:$0x1] =	stream.linear.gather [hbm4b:s4+s3], $0x160, $0x38;
	[tilespmem:$0xE680] =	vst v63  }
0x13: {  	_ =	swait.ge [sflag:s7], $0x160  }
0x14: {  	[sflag:s7] =	ssyncset.done $0x0  }
0x15: {  	s11 =	simm.s32 $0x0;
	s12 =	simm.s32 $0x200;
	[sflag:s7] =	ssyncadd.s32 $0xFFFFFEA0  }
.LBB2_2:
0x16: {  	p0 =	sne.s32 s12, $0x28000;
	[tilespmem:s11+$0x41F0] =	vst v0  }
0x17: {  	[tilespmem:s11+$0x4180] =	vst v0  }
0x18: {  	[tilespmem:s11+$0x4190] =	vst v0  }
.Ltmp2:
0x19: {  	[tilespmem:s11+$0x41A0] =	vst v0;
	(pc) =	sbr.rel @p0 .LBB2_2-.Ltmp2, $4  }
0x1a: {  	[tilespmem:s11+$0x41B0] =	vst v0  }
0x1b: {  	[tilespmem:s11+$0x41C0] =	vst v0  }
0x1c: {  	[tilespmem:s11+$0x41D0] =	vst v0  }
0x1d: {  	[tilespmem:s11+$0x41E0] =	vst v0;
	s11 =	sshra.s32 s12, $0x2;
	s12 =	sadd.s32 $0x200, s12  }
0x1e: {  	[tilespmem:s11+$0x41F0] =	vst v0  }
0x1f: {  	[tilespmem:s11+$0x4180] =	vst v0  }
0x20: {  	[tilespmem:s11+$0x4190] =	vst v0  }
0x21: {  	[tilespmem:s11+$0x41A0] =	vst v0  }
0x22: {  	[tilespmem:s11+$0x41B0] =	vst v0  }
0x23: {  	[tilespmem:s11+$0x41C0] =	vst v0  }
0x24: {  	[tilespmem:s11+$0x41D0] =	vst v0  }
0x25: {  	[tilespmem:s11+$0x41E0] =	vst v0  }
0x26: {  	v12 =	vld [tilespmem:$0x0]  }
0x27: {  	v13 =	vld [tilespmem:$0x140];
	_ =	sdelay $0x3  }
0x28: {  	(v2sf) =	vpush v12, $0x0  }
0x29: {  	(v2sf) =	vpush v13, $0x0;
	_ =	sdelay $0xd  }
0x2a: {  	s28 =	spop (v2sf)  }
0x2b: {  	s12 =	sshra.s32 s28, $0x1F;
	s13 =	spop (v2sf);
	s14 =	sand.u32 $0x7F, s28  }
0x2c: {  	p0 =	slt.s32 s28, $0x1;
	s12 =	sshrl.u32 s12, $0x19;
	s13 =	sadd.s32 $0x7F, s13  }
0x2d: {  	p1 =	sne.s32 s14, $0x0;
	s14 =	simm.s32 $0x1;
	s12 =	sadd.s32 s12, s28  }
0x2e: {  	s29 =	sand.u32 $0x7F, s13;
	p0 =	por !p0, !p1;
	p6 =	slt.s32 s13, $0x1  }
0x2f: {  	s31 =	sshra.s32 s13, $0x1F;
	p2 =	sne.s32 s29, $0x0;
	s30 =	sshra.s32 s12, $0x7  }
0x30: {  	p0 =	por !p0, !p0;
	s12 =	sshrl.u32 s31, $0x19;
	p1 =	por !p6, !p2  }
0x31: {  	s12 =	sadd.s32 s12, s13;
	s13 =	simm.s32 $0x1;
	p1 =	por !p1, !p1  }
0x32: {  	s14 =	simm.s32 @!p0 $0x0;
	s12 =	sshra.s32 s12, $0x7;
	s13 =	simm.s32 @!p1 $0x0  }
0x33: {  	s11 =	ssub.s32 s30, s14;
	s12 =	ssub.s32 s12, s13  }
0x34: {  	p0 =	sge.s32 s11, s12  }
.Ltmp3:
0x35: {  	_ = 	snop;
	(pc) =	sbr.rel @p0 .LBB2_10-.Ltmp3, $1  }
0x36: {  	_ =	sdelay $0x3  }
0x37: {  	v12 =	vbroadcast v12, $0x0;
	v13 =	vbroadcast v13, $0x0;
	s13 =	sshll.u32 s11, $0x7  }
.LBB2_5:
0x38: {  	s14 =	sshll.u32 s11, $0xB  }
0x39: {  	s14 =	sand.u32 $0x1FFFF800, s14  }
0x3a: {  	s15 =	sadd.s32 s2, s14;
	s14 =	simm.s32 $0x0  }
0x3b: {  	[tilespmem:s8], [sflag:$0x1] =	stream.linear.gather [hbm4b:s15+s14], $0x4000, $0x38;
	[tilespmem:$0xE680] =	vst v63  }
0x3c: {  	_ =	swait.ge [sflag:s7], $0x4000  }
0x3d: {  	[sflag:s7] =	ssyncset.done $0x0  }
0x3e: {  	s16 =	simm.s32 $0x0;
	s15 =	smov.u32 s13;
	[sflag:s7] =	ssyncadd.s32 $0xFFFFC000  }
.LBB2_6:
0x3f: {  	v14 =	vld.idx.msk [tilespmem:v2+s14+$0x0], $0xffff;
	_ =	sdelay $0x3  }
0x40: {  	v15 =	vor.u32 s15, v1  }
0x41: {  	vm0 =	vgt.s32 v14, v15  }
0x42: {  	v14 =	vsel vm0, $0x50, v4;
	_ =	sdelay $0x4  }
0x43: {  	v16 =	vld.idx.msk [tilespmem:v14+s14+$0x0], $0xffff;
	_ =	sdelay $0x4  }
0x44: {  	v17 =	vsel vm0, $0x0, v2;
	vm1 =	vgt.s32 v16, v15  }
0x45: {  	v16 =	vsel vm1, v17, v14  }
0x46: {  	v49 =	vsel vm0, $0x9F, v3;
	v14 =	vadd.s32 $0xFFFFFFFF, v14;
	v18 =	vor.u32 $0x1, v16  }
0x47: {  	v14 =	vsel vm1, v14, v49;
	v50 =	vadd.s32 $0xFFFFFFFF, v18  }
0x48: {  	v17 =	vadd.s32 v50, v14  }
0x49: {  	v17 =	vadd.s32 $0x1, v17  }
0x4a: {  	v17 =	vshrl.u32 v17, $0x1;
	_ =	sdelay $0x4  }
0x4b: {  	v51 =	vld.idx.msk [tilespmem:v17+s14+$0x0], $0xffff;
	_ =	sdelay $0x4  }
0x4c: {  	v52 =	vadd.s32 $0xFFFFFFFF, v17;
	vm7 =	vgt.s32 v51, v15  }
0x4d: {  	v16 =	vsel vm7, v16, v17;
	v14 =	vsel vm7, v52, v14  }
0x4e: {  	v17 =	vadd.s32 v14, v16  }
0x4f: {  	v17 =	vadd.s32 $0x1, v17  }
0x50: {  	v17 =	vshrl.u32 v17, $0x1;
	_ =	sdelay $0x4  }
0x51: {  	v53 =	vld.idx.msk [tilespmem:v17+s14+$0x0], $0xffff;
	_ =	sdelay $0x4  }
0x52: {  	v54 =	vadd.s32 $0xFFFFFFFF, v17;
	vm8 =	vgt.s32 v53, v15  }
0x53: {  	v16 =	vsel vm8, v16, v17;
	v14 =	vsel vm8, v54, v14  }
0x54: {  	v17 =	vadd.s32 v14, v16  }
0x55: {  	v17 =	vadd.s32 $0x1, v17  }
0x56: {  	v17 =	vshrl.u32 v17, $0x1;
	_ =	sdelay $0x4  }
0x57: {  	v55 =	vld.idx.msk [tilespmem:v17+s14+$0x0], $0xffff;
	_ =	sdelay $0x4  }
0x58: {  	v56 =	vadd.s32 $0xFFFFFFFF, v17;
	vm9 =	vgt.s32 v55, v15  }
0x59: {  	v16 =	vsel vm9, v16, v17;
	v14 =	vsel vm9, v56, v14  }
0x5a: {  	v17 =	vadd.s32 v14, v16  }
0x5b: {  	v17 =	vadd.s32 $0x1, v17  }
0x5c: {  	v17 =	vshrl.u32 v17, $0x1;
	_ =	sdelay $0x4  }
0x5d: {  	v57 =	vld.idx.msk [tilespmem:v17+s14+$0x0], $0xffff;
	_ =	sdelay $0x4  }
0x5e: {  	v58 =	vadd.s32 $0xFFFFFFFF, v17;
	vm10 =	vgt.s32 v57, v15  }
0x5f: {  	v16 =	vsel vm10, v16, v17;
	v14 =	vsel vm10, v58, v14  }
0x60: {  	v17 =	vadd.s32 v14, v16  }
0x61: {  	v17 =	vadd.s32 $0x1, v17  }
0x62: {  	v17 =	vshrl.u32 v17, $0x1;
	_ =	sdelay $0x4  }
0x63: {  	v59 =	vld.idx.msk [tilespmem:v17+s14+$0x0], $0xffff;
	_ =	sdelay $0x4  }
0x64: {  	v60 =	vadd.s32 $0xFFFFFFFF, v17;
	vm11 =	vgt.s32 v59, v15  }
0x65: {  	v16 =	vsel vm11, v16, v17;
	v14 =	vsel vm11, v60, v14  }
0x66: {  	v17 =	vadd.s32 v14, v16  }
0x67: {  	v17 =	vadd.s32 $0x1, v17  }
0x68: {  	v17 =	vshrl.u32 v17, $0x1;
	_ =	sdelay $0x4  }
0x69: {  	v61 =	vld.idx.msk [tilespmem:v17+s14+$0x0], $0xffff;
	_ =	sdelay $0x4  }
0x6a: {  	v62 =	vadd.s32 $0xFFFFFFFF, v17;
	vm12 =	vgt.s32 v61, v15  }
0x6b: {  	v16 =	vsel vm12, v16, v17;
	v14 =	vsel vm12, v62, v14  }
0x6c: {  	v14 =	vadd.s32 v14, v16  }
0x6d: {  	v14 =	vadd.s32 $0x1, v14  }
0x6e: {  	v14 =	vshrl.u32 v14, $0x1;
	_ =	sdelay $0x4  }
0x6f: {  	v63 =	vld.idx.msk [tilespmem:v14+s14+$0x0], $0xffff;
	_ =	sdelay $0x2  }
0x70: {  	p0 =	sne.s32 s16, $0x1C0  }
.Ltmp4:
0x71: {  	_ = 	snop;
	(pc) =	sbr.rel @p0 .LBB2_6-.Ltmp4, $4  }
0x72: {  	vm14 =	vge.s32 v15, v12;
	vm2 =	vlt.s32 v15, v13;
	vm13 =	vgt.s32 v63, v15  }
0x73: {  	vm15 =	vmand vm14, vm2;
	v14 =	vsel vm13, v16, v14  }
0x74: {  	s17 =	sshra.s32 s16, $0x2;
	v14 =	vnsel vm15, $0x140, v14  }
0x75: {  	s15 =	sadd.s32 $0x10, s15;
	s16 =	sadd.s32 $0x40, s16;
	[tilespmem:s17+$0xE580] =	vst v14  }
0x76: {  	s14 =	simm.s32 $0x0  }
0x77: {  	v14 =	vld [tilespmem:s14+$0xE580];
	_ =	sdelay $0x4  }
0x78: {  	v14 =	vshll.u32 v14, $0x7  }
0x79: {  	v15 =	vbroadcast v14, $0x0  }
0x7a: {  	s14 =	simm.s32 $0x1C0  }
0x7b: {  	v14 =	vld [tilespmem:s14+$0xFFFFFFC0];
	v16 =	vor.u32 v1, v15;
	_ =	sdelay $0x4  }
0x7c: {  	[tilespmem:v16+s9+$0x0] =	vst.idx.add.f32.msk $0xffff, v14  }
0x7d: {  	v16 =	vor.u32 v5, v15;
	v14 =	vld [tilespmem:s14+$0xFFFFFFD0];
	_ =	sdelay $0x4  }
0x7e: {  	[tilespmem:v16+s9+$0x0] =	vst.idx.add.f32.msk $0xffff, v14  }
0x7f: {  	v16 =	vor.u32 v6, v15;
	v14 =	vld [tilespmem:s14+$0xFFFFFFE0];
	_ =	sdelay $0x4  }
0x80: {  	[tilespmem:v16+s9+$0x0] =	vst.idx.add.f32.msk $0xffff, v14  }
0x81: {  	v16 =	vor.u32 v7, v15;
	v14 =	vld [tilespmem:s14+$0xFFFFFFF0];
	_ =	sdelay $0x4  }
0x82: {  	[tilespmem:v16+s9+$0x0] =	vst.idx.add.f32.msk $0xffff, v14  }
0x83: {  	v16 =	vor.u32 v8, v15;
	v14 =	vld [tilespmem:s14+$0x0];
	_ =	sdelay $0x4  }
0x84: {  	[tilespmem:v16+s9+$0x0] =	vst.idx.add.f32.msk $0xffff, v14  }
0x85: {  	v16 =	vor.u32 v9, v15;
	v14 =	vld [tilespmem:s14+$0x10];
	_ =	sdelay $0x4  }
0x86: {  	[tilespmem:v16+s9+$0x0] =	vst.idx.add.f32.msk $0xffff, v14  }
0x87: {  	v16 =	vor.u32 v10, v15;
	v14 =	vld [tilespmem:s14+$0x20];
	_ =	sdelay $0x4  }
0x88: {  	[tilespmem:v16+s9+$0x0] =	vst.idx.add.f32.msk $0xffff, v14  }
0x89: {  	s15 =	simm.s32 $0x4;
	s17 =	simm.s32 $0x8;
	v15 =	vor.u32 v11, v15;
	v14 =	vld [tilespmem:s14+$0x30]  }
.LBB2_8:
0x8a: {  	_ =	sdelay $0x2  }
0x8b: {  	s18 =	sshra.s32 s15, $0x2  }
0x8c: {  	s14 =	sadd.s32 $0x80, s14;
	s15 =	smov.u32 s17;
	s16 =	sadd.s32 $0x4, s17;
	[tilespmem:v15+s9+$0x0] =	vst.idx.add.f32.msk $0xffff, v14  }
0x8d: {  	p0 =	sne.s32 s17, $0x1FC;
	v14 =	vld [tilespmem:s18+$0xE580];
	_ =	sdelay $0x4  }
0x8e: {  	v14 =	vshll.u32 v14, $0x7  }
0x8f: {  	v15 =	vbroadcast v14, $0x0;
	_ =	sdelay $0x1  }
0x90: {  	v14 =	vld [tilespmem:s14+$0xFFFFFFC0];
	v16 =	vor.u32 v1, v15;
	_ =	sdelay $0x4  }
0x91: {  	[tilespmem:v16+s9+$0x0] =	vst.idx.add.f32.msk $0xffff, v14  }
0x92: {  	v16 =	vor.u32 v5, v15;
	v14 =	vld [tilespmem:s14+$0xFFFFFFD0];
	_ =	sdelay $0x4  }
0x93: {  	[tilespmem:v16+s9+$0x0] =	vst.idx.add.f32.msk $0xffff, v14  }
0x94: {  	v16 =	vor.u32 v6, v15;
	v14 =	vld [tilespmem:s14+$0xFFFFFFE0];
	_ =	sdelay $0x4  }
0x95: {  	[tilespmem:v16+s9+$0x0] =	vst.idx.add.f32.msk $0xffff, v14  }
0x96: {  	v16 =	vor.u32 v7, v15;
	v14 =	vld [tilespmem:s14+$0xFFFFFFF0];
	_ =	sdelay $0x4  }
0x97: {  	[tilespmem:v16+s9+$0x0] =	vst.idx.add.f32.msk $0xffff, v14  }
0x98: {  	v16 =	vor.u32 v8, v15;
	v14 =	vld [tilespmem:s14+$0x0];
	_ =	sdelay $0x4  }
0x99: {  	[tilespmem:v16+s9+$0x0] =	vst.idx.add.f32.msk $0xffff, v14  }
0x9a: {  	v16 =	vor.u32 v9, v15;
	v14 =	vld [tilespmem:s14+$0x10];
	_ =	sdelay $0x4  }
0x9b: {  	[tilespmem:v16+s9+$0x0] =	vst.idx.add.f32.msk $0xffff, v14  }
0x9c: {  	v16 =	vor.u32 v10, v15;
	v14 =	vld [tilespmem:s14+$0x20];
	_ =	sdelay $0x1  }
.Ltmp5:
0x9d: {  	(pc) =	sbr.rel @p0 .LBB2_8-.Ltmp5, $3  }
0x9e: {  	_ =	sdelay $0x1  }
0x9f: {  	[tilespmem:v16+s9+$0x0] =	vst.idx.add.f32.msk $0xffff, v14  }
0xa0: {  	s17 =	smov.u32 s16;
	v15 =	vor.u32 v11, v15;
	v14 =	vld [tilespmem:s14+$0x30]  }
0xa1: {  	_ =	sdelay $0x3  }
0xa2: {  	s15 =	sshra.s32 s15, $0x2;
	[tilespmem:v15+s9+$0x0] =	vst.idx.add.f32.msk $0xffff, v14  }
0xa3: {  	v14 =	vld [tilespmem:s15+$0xE580];
	_ =	sdelay $0x4  }
0xa4: {  	v14 =	vshll.u32 v14, $0x7  }
0xa5: {  	v14 =	vbroadcast v14, $0x0  }
0xa6: {  	s14 =	sadd.s32 $0x80, s14  }
0xa7: {  	v15 =	vld [tilespmem:s14+$0xFFFFFFC0];
	v16 =	vor.u32 v1, v14;
	_ =	sdelay $0x4  }
0xa8: {  	[tilespmem:v16+s9+$0x0] =	vst.idx.add.f32.msk $0xffff, v15  }
0xa9: {  	v58 =	vor.u32 v5, v14;
	v15 =	vld [tilespmem:s14+$0xFFFFFFD0];
	_ =	sdelay $0x4  }
0xaa: {  	[tilespmem:v58+s9+$0x0] =	vst.idx.add.f32.msk $0xffff, v15  }
0xab: {  	v59 =	vor.u32 v6, v14;
	v15 =	vld [tilespmem:s14+$0xFFFFFFE0];
	_ =	sdelay $0x4  }
0xac: {  	[tilespmem:v59+s9+$0x0] =	vst.idx.add.f32.msk $0xffff, v15  }
0xad: {  	v60 =	vor.u32 v7, v14;
	v15 =	vld [tilespmem:s14+$0xFFFFFFF0];
	_ =	sdelay $0x4  }
0xae: {  	[tilespmem:v60+s9+$0x0] =	vst.idx.add.f32.msk $0xffff, v15  }
0xaf: {  	v61 =	vor.u32 v8, v14;
	v15 =	vld [tilespmem:s14+$0x0];
	_ =	sdelay $0x4  }
0xb0: {  	[tilespmem:v61+s9+$0x0] =	vst.idx.add.f32.msk $0xffff, v15  }
0xb1: {  	v62 =	vor.u32 v9, v14;
	v15 =	vld [tilespmem:s14+$0x10];
	_ =	sdelay $0x4  }
0xb2: {  	[tilespmem:v62+s9+$0x0] =	vst.idx.add.f32.msk $0xffff, v15  }
0xb3: {  	v63 =	vor.u32 v10, v14;
	v15 =	vld [tilespmem:s14+$0x20];
	_ =	sdelay $0x4  }
0xb4: {  	s11 =	sadd.s32 $0x1, s11;
	[tilespmem:v63+s9+$0x0] =	vst.idx.add.f32.msk $0xffff, v15  }
0xb5: {  	p0 =	slt.s32 s11, s12;
	v14 =	vor.u32 v11, v14;
	v15 =	vld [tilespmem:s14+$0x30]  }
.Ltmp6:
0xb6: {  	_ = 	snop;
	(pc) =	sbr.rel @p0 .LBB2_5-.Ltmp6, $4  }
.Ltmp7:
0xb7: {  	_ = 	snop;
	(pc) =	sbr.rel @!p0 .LBB2_10-.Ltmp7, $4  }
0xb8: {  	_ = 	snop  }
0xb9: {  	_ = 	snop  }
0xba: {  	s13 =	sadd.s32 $0x80, s13;
	[tilespmem:v14+s9+$0x0] =	vst.idx.add.f32.msk $0xffff, v15  }
0xbb: {  	_ = 	snop  }
.LBB2_11:
0xbc: {  	_ =	sfence.sel $0x180000  }
0xbd: {  	[bflag:$0x0] =	sbarrier.arrive $0xFFFF  }
0xbe: {  	p0 =	sne.s32 s0, $0x0;
	_ =	strace $0x90000047  }
0xbf: {  	s0 =	sadd.s32 @!p0 $0x100000, s1;
	[bflag:$0x2] =	sbarrier.arrive $0xFFFF  }
0xc0: {  	[sflag:s0] =	ssyncadd.tile.s32 @!p0 $0x1;
	_ =	shalt  }
.Lfunc_end2:
_tile_overlayer_lowered:
.L_overlay_start_2:
0xc1: {  	(tag) =	ssettag $0x2  }
0xc2: {  	s0 =	rddreg [dreg:$0x0];
	s2 =	stileid.u32  }
0xc3: {  	s1 =	rddreg [dreg:$0x1];
	p0 =	sne.s32 s2, $0x0  }
0xc4: {  	s3 =	rddreg [dreg:$0x2];
	[bflag:$0x3] =	sbarrier.arrive $0xFFFF;
	s2 =	simm.s32 @!p0 $0x1C01  }
0xc5: {  	[timem:s3], [sflag:s2] =	dma.local @!p0 [hbm:s0], s1  }
0xc6: {  	s0 =	simm.s32 @!p0 $0x1  }
0xc7: {  	_ =	swait.ge @!p0 [sflag:s0], s1  }
0xc8: {  	s1 =	ssub.s32 @!p0 $0x0, s1;
	[sflag:s0] =	ssyncset.done @!p0 $0x0  }
0xc9: {  	[sflag:s0] =	ssyncadd.s32 @!p0 s1  }
0xca: {  	[bflag:$0x3] =	sbarrier.arrive $0xFFFF  }
0xcb: {  	_ =	shalt  }

</sc_bundles>
